<compile_context>
chip_gen: v7x
topology: tpu7x:2x2x1
jax: 0.10.2.dev20260603
libtpu: 0.0.44.dev20260713+nightly
codegen_flags: <defaults>
</compile_context>

<pallas_src>
import functools

import jax
import jax.numpy as jnp
from jax import lax
from jax.experimental import pallas as pl
from jax.experimental.pallas import tpu as pltpu
from jax.experimental.pallas import tpu_sc as plsc

N = 10000
DIN = 128
DH = 256
DOUT = 64
E = 320000

NCORES = 2
NSUB = 16
CHUNK = 128
NG = 160
GRP = 16
NBG = NG // GRP
EPT = NG * CHUNK
E_PAD = NSUB * EPT
ROWS_PAD = 10240
RPT = ROWS_PAD // NSUB
HALF = 128
RBLK = 400
GRID = N // RBLK

_HI = jax.lax.Precision.HIGHEST

_sc_mesh = plsc.VectorSubcoreMesh(core_axis_name="c", subcore_axis_name="s")



@functools.partial(
    pl.kernel,
    out_type=jax.ShapeDtypeStruct((NCORES, ROWS_PAD), jnp.float32),
    mesh=_sc_mesh,
    scratch_types=[
        pltpu.VMEM((NG, CHUNK), jnp.int32),
        pltpu.VMEM((CHUNK,), jnp.float32),
        pltpu.VMEM_SHARED((ROWS_PAD,), jnp.float32),
        pltpu.SemaphoreType.DMA,
    ],
)
def _sc_deg(dstx_hbm, z1_hbm, out_hbm, didx, ones_v, dacc, sem):
    c = lax.axis_index("c")
    s = lax.axis_index("s")
    r0 = s * RPT
    for i in range(CHUNK // 16):
        ones_v[pl.ds(i * 16, 16)] = jnp.ones((16,), jnp.float32)
    pltpu.sync_copy(z1_hbm.at[pl.ds(r0, RPT)], dacc.at[pl.ds(r0, RPT)])
    pltpu.sync_copy(dstx_hbm.at[s], didx)
    plsc.subcore_barrier()

    def body(g, carry):
        @pl.when((g % NCORES) == c)
        def _():
            pltpu.sync_copy(ones_v, dacc.at[didx.at[g]], add=True)
        return carry

    lax.fori_loop(0, NG, body, 0)
    plsc.subcore_barrier()
    pltpu.sync_copy(dacc.at[pl.ds(r0, RPT)], out_hbm.at[c, pl.ds(r0, RPT)])


@functools.partial(
    pl.kernel,
    out_type=jax.ShapeDtypeStruct((ROWS_PAD, DH), jnp.float32),
    mesh=_sc_mesh,
    scratch_types=[
        pltpu.VMEM((GRP, CHUNK), jnp.int32),
        pltpu.VMEM((GRP, CHUNK), jnp.int32),
        pltpu.VMEM((CHUNK, HALF), jnp.float32),
        pltpu.VMEM((CHUNK, HALF), jnp.float32),
        pltpu.VMEM_SHARED((ROWS_PAD, HALF), jnp.float32),
        pltpu.SemaphoreType.DMA,
        pltpu.SemaphoreType.DMA,
    ],
)
def _sc_scatter(hsv_hbm, srcx_hbm, dstx_hbm, z2_hbm, out_hbm,
                sidx, didx, buf_a, buf_b, acc, sem_a, sem_b):
    c = lax.axis_index("c")
    s = lax.axis_index("s")
    r0 = s * RPT
    pltpu.sync_copy(z2_hbm.at[pl.ds(r0, RPT)], acc.at[pl.ds(r0, RPT)])
    plsc.subcore_barrier()

    def group(nb, carry):
        pltpu.sync_copy(srcx_hbm.at[c, s, pl.ds(nb * GRP, GRP)], sidx)
        pltpu.sync_copy(dstx_hbm.at[s, pl.ds(nb * GRP, GRP)], didx)
        pltpu.async_copy(hsv_hbm.at[sidx.at[0]], buf_a, sem_a)

        def body(g, carry2):
            @pl.when((g % 2) == 0)
            def _():
                pltpu.make_async_copy(hsv_hbm.at[sidx.at[g]], buf_a, sem_a).wait()
                @pl.when(g + 1 < GRP)
                def _():
                    pltpu.async_copy(hsv_hbm.at[sidx.at[g + 1]], buf_b, sem_b)
                pltpu.sync_copy(buf_a, acc.at[didx.at[g]], add=True)

            @pl.when((g % 2) == 1)
            def _():
                pltpu.make_async_copy(hsv_hbm.at[sidx.at[g]], buf_b, sem_b).wait()
                @pl.when(g + 1 < GRP)
                def _():
                    pltpu.async_copy(hsv_hbm.at[sidx.at[g + 1]], buf_a, sem_a)
                pltpu.sync_copy(buf_b, acc.at[didx.at[g]], add=True)

            return carry2

        lax.fori_loop(0, GRP, body, 0)
        return carry

    lax.fori_loop(0, NBG, group, 0)
    plsc.subcore_barrier()
    pltpu.sync_copy(acc.at[pl.ds(r0, RPT)],
                    out_hbm.at[pl.ds(r0, RPT), pl.ds(c * HALF, HALF)])



def _dinv_of(deg_ref):
    d = jnp.sum(deg_ref[...], axis=1) + 1.0
    return lax.rsqrt(d)[:, None]


def _tc1_body(x_ref, w1_ref, deg_ref, o_ref):
    h = jnp.dot(x_ref[...], w1_ref[...], precision=_HI)
    o_ref[...] = h * _dinv_of(deg_ref)


def _tc2_body(raw_ref, hs_ref, deg_ref, b1_ref, g_ref, bln_ref, w2_ref, o_ref):
    dinv = _dinv_of(deg_ref)
    t = (raw_ref[...] + hs_ref[...]) * dinv + b1_ref[...]
    t = jnp.maximum(t, 0.0)
    mu = jnp.mean(t, axis=1, keepdims=True)
    var = jnp.mean((t - mu) ** 2, axis=1, keepdims=True)
    z = (t - mu) * lax.rsqrt(var + 1e-5) * g_ref[...] + bln_ref[...]
    h2 = jnp.dot(z, w2_ref[...], precision=_HI)
    o_ref[...] = h2 * dinv


def _tc3_body(raw_ref, hs_ref, deg_ref, b2_ref, w1_ref, lb1_ref,
              w2_ref, lb2_ref, emb_ref, lp_ref):
    dinv = _dinv_of(deg_ref)
    emb = (raw_ref[...] + hs_ref[...]) * dinv + b2_ref[...]
    emb_ref[...] = emb
    r = jnp.maximum(emb, 0.0)
    t = jnp.dot(r, w1_ref[...], precision=_HI) + lb1_ref[...]
    u = jnp.dot(t, w2_ref[...], precision=_HI) + lb2_ref[...]
    m = jnp.max(u, axis=1, keepdims=True)
    lse = jnp.log(jnp.sum(jnp.exp(u - m), axis=1, keepdims=True)) + m
    lp_ref[...] = u - lse


def _row_spec(cols):
    return pl.BlockSpec((RBLK, cols), lambda i: (i, 0))


def _full_spec(r, c):
    return pl.BlockSpec((r, c), lambda i: (0, 0))


_deg_spec = pl.BlockSpec((RBLK, NCORES), lambda i: (i, 0))

_tc1 = pl.pallas_call(
    _tc1_body,
    grid=(GRID,),
    in_specs=[_row_spec(DIN), _full_spec(DIN, DH), _deg_spec],
    out_specs=_row_spec(DH),
    out_shape=jax.ShapeDtypeStruct((N, DH), jnp.float32),
)

_tc2 = pl.pallas_call(
    _tc2_body,
    grid=(GRID,),
    in_specs=[_row_spec(DH), _row_spec(DH), _deg_spec, _full_spec(1, DH),
              _full_spec(1, DH), _full_spec(1, DH), _full_spec(DH, DH)],
    out_specs=_row_spec(DH),
    out_shape=jax.ShapeDtypeStruct((N, DH), jnp.float32),
)

_tc3 = pl.pallas_call(
    _tc3_body,
    grid=(GRID,),
    in_specs=[_row_spec(DH), _row_spec(DH), _deg_spec, _full_spec(1, DH),
              _full_spec(DH, DH), _full_spec(1, DH), _full_spec(DH, DOUT),
              _full_spec(1, DOUT)],
    out_specs=[_row_spec(DH), _row_spec(DOUT)],
    out_shape=[jax.ShapeDtypeStruct((N, DH), jnp.float32),
               jax.ShapeDtypeStruct((N, DOUT), jnp.float32)],
)



def kernel(x, edge_index, W1, b1, W2, b2, ln_g, ln_b, l1_W, l1_b, l2_W, l2_b):
    src = edge_index[0].astype(jnp.int32)
    dst = edge_index[1].astype(jnp.int32)
    pad = E_PAD - E
    srcp = jnp.concatenate([src, jnp.zeros((pad,), jnp.int32)])
    dstp = jnp.concatenate([dst, jnp.full((pad,), N, jnp.int32)])
    srcx = jnp.stack([srcp * 2, srcp * 2 + 1]).reshape(NCORES, NSUB, NG, CHUNK)
    dstx = dstp.reshape(NSUB, NG, CHUNK)
    z2 = jnp.zeros((ROWS_PAD, HALF), jnp.float32)
    z1 = jnp.zeros((ROWS_PAD,), jnp.float32)

    b1r = b1.reshape(1, DH)
    b2r = b2.reshape(1, DH)
    gr = ln_g.reshape(1, DH)
    br = ln_b.reshape(1, DH)
    l1br = l1_b.reshape(1, DH)
    l2br = l2_b.reshape(1, DOUT)

    degp = _sc_deg(dstx, z1).T
    hs1 = _tc1(x, W1, degp)
    raw1 = _sc_scatter(hs1.reshape(2 * N, HALF), srcx, dstx, z2)
    hs2 = _tc2(raw1, hs1, degp, b1r, gr, br, W2)
    raw2 = _sc_scatter(hs2.reshape(2 * N, HALF), srcx, dstx, z2)
    emb, logp = _tc3(raw2, hs2, degp, b2r, l1_W, l1br, l2_W, l2br)
    return emb, logp

# --- scband reference (transcript-rebuilt; emitter-appended) ---
"""Pipeline reference for scband-cora-gcn-30915174596780 (READ-ONLY COPY).

The authoritative reference and input builder live on the scoring server;
editing this copy changes nothing except your own understanding.
"""

import jax, jax.numpy as jnp
import numpy as np

N = 10000
DIN = 128
DH = 256
DOUT = 64
E = 320000


def gcn_conv(x, src, dst, W, b, num_nodes):
    # linear transform
    h = x @ W
    # add self loops
    loop = jnp.arange(num_nodes, dtype=src.dtype)
    src2 = jnp.concatenate([src, loop])
    dst2 = jnp.concatenate([dst, loop])
    # symmetric normalization (deg computed at dst, edge_weight=1)
    deg = jnp.zeros((num_nodes,), dtype=h.dtype).at[dst2].add(1.0)
    dinv = jnp.where(deg > 0, deg ** -0.5, 0.0)
    norm = dinv[src2] * dinv[dst2]
    msg = h[src2] * norm[:, None]
    out = jnp.zeros((num_nodes, h.shape[1]), dtype=h.dtype).at[dst2].add(msg)
    return out + b


def layer_norm(x, g, b, eps=1e-5):
    mu = jnp.mean(x, axis=-1, keepdims=True)
    var = jnp.mean((x - mu) ** 2, axis=-1, keepdims=True)
    return (x - mu) / jnp.sqrt(var + eps) * g + b


def setup_inputs(seed: int = 0) -> dict:
    key = jax.random.key(seed)
    ks = jax.random.split(key, 12)
    x = jax.random.normal(ks[0], (N, DIN), dtype=jnp.float32)
    edge_index = jax.random.randint(ks[1], (2, E), 0, N, dtype=jnp.int32)
    W1 = jax.random.normal(ks[2], (DIN, DH), dtype=jnp.float32) * (1.0 / np.sqrt(DIN))
    b1 = jnp.zeros((DH,), dtype=jnp.float32)
    W2 = jax.random.normal(ks[3], (DH, DH), dtype=jnp.float32) * (1.0 / np.sqrt(DH))
    b2 = jnp.zeros((DH,), dtype=jnp.float32)
    ln_g = jnp.ones((DH,), dtype=jnp.float32)
    ln_b = jnp.zeros((DH,), dtype=jnp.float32)
    l1_W = jax.random.normal(ks[4], (DH, DH), dtype=jnp.float32) * (1.0 / np.sqrt(DH))
    l1_b = jnp.zeros((DH,), dtype=jnp.float32)
    l2_W = jax.random.normal(ks[5], (DH, DOUT), dtype=jnp.float32) * (1.0 / np.sqrt(DH))
    l2_b = jnp.zeros((DOUT,), dtype=jnp.float32)
    return {"x": x, "edge_index": edge_index, "W1": W1, "b1": b1, "W2": W2,
            "b2": b2, "ln_g": ln_g, "ln_b": ln_b, "l1_W": l1_W, "l1_b": l1_b,
            "l2_W": l2_W, "l2_b": l2_b}


def reference(x, edge_index, W1, b1, W2, b2, ln_g, ln_b, l1_W, l1_b, l2_W, l2_b):
    src = edge_index[0]
    dst = edge_index[1]
    h = gcn_conv(x, src, dst, W1, b1, N)
    h = jax.nn.relu(h)
    # dropout: identity (eval mode)
    h = layer_norm(h, ln_g, ln_b)
    h = gcn_conv(h, src, dst, W2, b2, N)
    emb = h
    h = jax.nn.relu(h)
    h = h @ l1_W + l1_b
    h = h @ l2_W + l2_b
    return (emb, jax.nn.log_softmax(h, axis=1))

if __name__ == "__main__":
    import jax
    _d = setup_inputs()
    print(jax.jit(kernel)(*tuple(_d.values())))

</pallas_src>

<mosaic_0001>
#map = affine_map<(d0, d1) -> (0, 0)>
#map1 = affine_map<(d0, d1) -> (0, 0, 0, 0)>
#map2 = affine_map<(d0, d1) -> (0, 0, 0)>
module attributes {stable_mosaic.version = 14 : i64} {
  func.func @_sc_scatter(%arg0: i32, %arg1: i32, %arg2: memref<20000x128xf32, #tpu.memory_space<hbm>>, %arg3: memref<2x16x160x128xi32, #tpu.memory_space<hbm>>, %arg4: memref<16x160x128xi32, #tpu.memory_space<hbm>>, %arg5: memref<10240x128xf32, #tpu.memory_space<hbm>>, %arg6: memref<10240x256xf32, #tpu.memory_space<hbm>>, %arg7: memref<16x128xi32, #tpu.memory_space<vmem>>, %arg8: memref<16x128xi32, #tpu.memory_space<vmem>>, %arg9: memref<128x128xf32, #tpu.memory_space<vmem>>, %arg10: memref<128x128xf32, #tpu.memory_space<vmem>>, %arg11: memref<10240x128xf32, #tpu.memory_space<vmem_shared>>, %arg12: memref<!tpu.dma_semaphore, #tpu.memory_space<semaphore_mem>>, %arg13: memref<!tpu.dma_semaphore, #tpu.memory_space<semaphore_mem>>) attributes {dimension_semantics = [#tpu.dimension_semantics<core_parallel>, #tpu.dimension_semantics<subcore_parallel>], iteration_bounds = array<i64: 2, 16>, scalar_prefetch = 0 : i64, scratch_operands = 7 : i64, tpu.core_type = #tpu.core_type<sc_vector_subcore>, window_params = [{transform_indices = #map}, {transform_indices = #map1}, {transform_indices = #map2}, {transform_indices = #map}, {transform_indices = #map}]} {
    %mul3A = arith.constant 640 : i32
    %mul3A_0 = arith.muli %arg1, %mul3A : i32
    "tpu.region"() ({
      %run_scoped3A = tpu.sem_alloc : memref<!tpu.dma_semaphore, #tpu.memory_space<semaphore_mem>>
      %dma_start3A = arith.constant 0 : i32
      %dma_start3A_9 = tpu.memref_slice %arg11[%mul3A_0, %dma_start3A] : memref<10240x128xf32, #tpu.memory_space<vmem_shared>> -> memref<640x128xf32, #tpu.memory_space<vmem_shared>>
      %dma_start3A_10 = arith.constant 0 : i32
      %dma_start3A_11 = tpu.memref_slice %arg5[%mul3A_0, %dma_start3A_10] : memref<10240x128xf32, #tpu.memory_space<hbm>> -> memref<640x128xf32, #tpu.memory_space<hbm>>
      tpu.enqueue_dma source(%dma_start3A_11 : memref<640x128xf32, #tpu.memory_space<hbm>>) target(%dma_start3A_9 : memref<640x128xf32, #tpu.memory_space<vmem_shared>>) target_semaphore(%run_scoped3A : memref<!tpu.dma_semaphore, #tpu.memory_space<semaphore_mem>>)
      %dma_wait3A = arith.constant 0 : i32
      %dma_wait3A_12 = tpu.memref_slice %arg11[%mul3A_0, %dma_wait3A] : memref<10240x128xf32, #tpu.memory_space<vmem_shared>> -> memref<640x128xf32, #tpu.memory_space<vmem_shared>>
      %dma_wait3A_13 = arith.constant 0 : i32
      %dma_wait3A_14 = tpu.memref_slice %arg5[%mul3A_0, %dma_wait3A_13] : memref<10240x128xf32, #tpu.memory_space<hbm>> -> memref<640x128xf32, #tpu.memory_space<hbm>>
      tpu.wait_dma2 semaphore(%run_scoped3A : memref<!tpu.dma_semaphore, #tpu.memory_space<semaphore_mem>>) src(%dma_wait3A_14 : memref<640x128xf32, #tpu.memory_space<hbm>>) dst(%dma_wait3A_12 : memref<640x128xf32, #tpu.memory_space<vmem_shared>>)
      tpu.yield
    }) : () -> ()
    %barrier3A = arith.constant 0 : index
    tpu.barrier barrier_id(%barrier3A)
    %scan3A = arith.constant 0 : i32
    %scan3A_1 = arith.constant 0 : i32
    %scan3A_2 = arith.constant 10 : i32
    %scan3A_3 = arith.addi %scan3A_1, %scan3A_2 : i32
    %scan3A_4 = arith.constant 1 : i32
    scf.for %scan3A_9 = %scan3A_1 to %scan3A_3 step %scan3A_4  : i32 {
      %mul3A_10 = arith.constant 16 : i32
      %mul3A_11 = arith.muli %scan3A_9, %mul3A_10 : i32
      "tpu.region"() ({
        %run_scoped3A = tpu.sem_alloc : memref<!tpu.dma_semaphore, #tpu.memory_space<semaphore_mem>>
        %dma_start3A_26 = arith.constant 0 : i32
        %dma_start3A_27 = tpu.memref_slice %arg3[%arg0, %arg1, %mul3A_11, %dma_start3A_26] : memref<2x16x160x128xi32, #tpu.memory_space<hbm>> -> memref<1x1x16x128xi32, #tpu.memory_space<hbm>>
        %dma_start3A_28 = tpu.memref_squeeze %dma_start3A_27 : memref<1x1x16x128xi32, #tpu.memory_space<hbm>> -> memref<16x128xi32, #tpu.memory_space<hbm>>
        %dma_start3A_29 = arith.constant 0 : i32
        %dma_start3A_30 = tpu.memref_slice %arg3[%arg0, %arg1, %mul3A_11, %dma_start3A_29] : memref<2x16x160x128xi32, #tpu.memory_space<hbm>> -> memref<1x1x16x128xi32, #tpu.memory_space<hbm>>
        %dma_start3A_31 = tpu.memref_squeeze %dma_start3A_30 : memref<1x1x16x128xi32, #tpu.memory_space<hbm>> -> memref<16x128xi32, #tpu.memory_space<hbm>>
        tpu.enqueue_dma source(%dma_start3A_31 : memref<16x128xi32, #tpu.memory_space<hbm>>) target(%arg7 : memref<16x128xi32, #tpu.memory_space<vmem>>) target_semaphore(%run_scoped3A : memref<!tpu.dma_semaphore, #tpu.memory_space<semaphore_mem>>)
        %dma_wait3A = arith.constant 0 : i32
        %dma_wait3A_32 = tpu.memref_slice %arg3[%arg0, %arg1, %mul3A_11, %dma_wait3A] : memref<2x16x160x128xi32, #tpu.memory_space<hbm>> -> memref<1x1x16x128xi32, #tpu.memory_space<hbm>>
        %dma_wait3A_33 = tpu.memref_squeeze %dma_wait3A_32 : memref<1x1x16x128xi32, #tpu.memory_space<hbm>> -> memref<16x128xi32, #tpu.memory_space<hbm>>
        %dma_wait3A_34 = arith.constant 0 : i32
        %dma_wait3A_35 = tpu.memref_slice %arg3[%arg0, %arg1, %mul3A_11, %dma_wait3A_34] : memref<2x16x160x128xi32, #tpu.memory_space<hbm>> -> memref<1x1x16x128xi32, #tpu.memory_space<hbm>>
        %dma_wait3A_36 = tpu.memref_squeeze %dma_wait3A_35 : memref<1x1x16x128xi32, #tpu.memory_space<hbm>> -> memref<16x128xi32, #tpu.memory_space<hbm>>
        tpu.wait_dma2 semaphore(%run_scoped3A : memref<!tpu.dma_semaphore, #tpu.memory_space<semaphore_mem>>) src(%dma_wait3A_36 : memref<16x128xi32, #tpu.memory_space<hbm>>) dst(%arg7 : memref<16x128xi32, #tpu.memory_space<vmem>>)
        tpu.yield
      }) : () -> ()
      %mul3A_12 = arith.constant 16 : i32
      %mul3A_13 = arith.muli %scan3A_9, %mul3A_12 : i32
      "tpu.region"() ({
        %run_scoped3A = tpu.sem_alloc : memref<!tpu.dma_semaphore, #tpu.memory_space<semaphore_mem>>
        %dma_start3A_26 = arith.constant 0 : i32
        %dma_start3A_27 = tpu.memref_slice %arg4[%arg1, %mul3A_13, %dma_start3A_26] : memref<16x160x128xi32, #tpu.memory_space<hbm>> -> memref<1x16x128xi32, #tpu.memory_space<hbm>>
        %dma_start3A_28 = tpu.memref_squeeze %dma_start3A_27 : memref<1x16x128xi32, #tpu.memory_space<hbm>> -> memref<16x128xi32, #tpu.memory_space<hbm>>
        %dma_start3A_29 = arith.constant 0 : i32
        %dma_start3A_30 = tpu.memref_slice %arg4[%arg1, %mul3A_13, %dma_start3A_29] : memref<16x160x128xi32, #tpu.memory_space<hbm>> -> memref<1x16x128xi32, #tpu.memory_space<hbm>>
        %dma_start3A_31 = tpu.memref_squeeze %dma_start3A_30 : memref<1x16x128xi32, #tpu.memory_space<hbm>> -> memref<16x128xi32, #tpu.memory_space<hbm>>
        tpu.enqueue_dma source(%dma_start3A_31 : memref<16x128xi32, #tpu.memory_space<hbm>>) target(%arg8 : memref<16x128xi32, #tpu.memory_space<vmem>>) target_semaphore(%run_scoped3A : memref<!tpu.dma_semaphore, #tpu.memory_space<semaphore_mem>>)
        %dma_wait3A = arith.constant 0 : i32
        %dma_wait3A_32 = tpu.memref_slice %arg4[%arg1, %mul3A_13, %dma_wait3A] : memref<16x160x128xi32, #tpu.memory_space<hbm>> -> memref<1x16x128xi32, #tpu.memory_space<hbm>>
        %dma_wait3A_33 = tpu.memref_squeeze %dma_wait3A_32 : memref<1x16x128xi32, #tpu.memory_space<hbm>> -> memref<16x128xi32, #tpu.memory_space<hbm>>
        %dma_wait3A_34 = arith.constant 0 : i32
        %dma_wait3A_35 = tpu.memref_slice %arg4[%arg1, %mul3A_13, %dma_wait3A_34] : memref<16x160x128xi32, #tpu.memory_space<hbm>> -> memref<1x16x128xi32, #tpu.memory_space<hbm>>
        %dma_wait3A_36 = tpu.memref_squeeze %dma_wait3A_35 : memref<1x16x128xi32, #tpu.memory_space<hbm>> -> memref<16x128xi32, #tpu.memory_space<hbm>>
        tpu.wait_dma2 semaphore(%run_scoped3A : memref<!tpu.dma_semaphore, #tpu.memory_space<semaphore_mem>>) src(%dma_wait3A_36 : memref<16x128xi32, #tpu.memory_space<hbm>>) dst(%arg8 : memref<16x128xi32, #tpu.memory_space<vmem>>)
        tpu.yield
      }) : () -> ()
      %dma_start3A = arith.constant 0 : i32
      %dma_start3A_14 = arith.constant 0 : i32
      %dma_start3A_15 = tpu.memref_slice %arg7[%dma_start3A, %dma_start3A_14] : memref<16x128xi32, #tpu.memory_space<vmem>> -> memref<1x128xi32, #tpu.memory_space<vmem>>
      %dma_start3A_16 = tpu.memref_squeeze %dma_start3A_15 : memref<1x128xi32, #tpu.memory_space<vmem>> -> memref<128xi32, #tpu.memory_space<vmem>>
      %dma_start3A_17 = arith.constant 0 : i32
      %dma_start3A_18 = arith.constant 0 : i32
      %dma_start3A_19 = tpu.memref_slice %arg2[%dma_start3A_17, %dma_start3A_18] : memref<20000x128xf32, #tpu.memory_space<hbm>> -> memref<20000x128xf32, #tpu.memory_space<hbm>>
      tpu.enqueue_indirect_dma source(%dma_start3A_19 : memref<20000x128xf32, #tpu.memory_space<hbm>>) target(%arg9 : memref<128x128xf32, #tpu.memory_space<vmem>>) offsets(%dma_start3A_16 : memref<128xi32, #tpu.memory_space<vmem>>) semaphore(%arg12 : memref<!tpu.dma_semaphore, #tpu.memory_space<semaphore_mem>>)
      %scan3A_20 = arith.constant 0 : i32
      %scan3A_21 = arith.constant 0 : i32
      %scan3A_22 = arith.constant 16 : i32
      %scan3A_23 = arith.addi %scan3A_21, %scan3A_22 : i32
      %scan3A_24 = arith.constant 1 : i32
      scf.for %scan3A_26 = %scan3A_21 to %scan3A_23 step %scan3A_24  : i32 {
        %jit3A = arith.constant 2 : i32
        %eq3A = arith.constant 0 : i32
        %eq3A_27 = arith.cmpi eq, %jit3A, %eq3A : i32
        %jit3A_28 = arith.constant 1 : i32
        %select_n3A = arith.select %eq3A_27, %jit3A_28, %jit3A : i32
        %rem3A = arith.remsi %scan3A_26, %select_n3A : i32
        %ne3A = arith.constant 0 : i32
        %ne3A_29 = arith.cmpi ne, %rem3A, %ne3A : i32
        %lt3A = arith.constant 0 : i32
        %lt3A_30 = arith.cmpi slt, %rem3A, %lt3A : i32
        %lt3A_31 = arith.constant 0 : i32
        %lt3A_32 = arith.cmpi slt, %select_n3A, %lt3A_31 : i32
        %ne3A_33 = arith.xori %lt3A_30, %lt3A_32 : i1
        %and3A = arith.andi %ne3A_33, %ne3A_29 : i1
        %add3A = arith.addi %rem3A, %select_n3A : i32
        %select_n3A_34 = arith.select %and3A, %add3A, %rem3A : i32
        %eq3A_35 = arith.constant 0 : i32
        %eq3A_36 = arith.cmpi eq, %select_n3A_34, %eq3A_35 : i32
        %convert_element_type3A = arith.extui %eq3A_36 : i1 to i32
        %cond3A = arith.constant 0 : i32
        %cond3A_37 = arith.cmpi ne, %convert_element_type3A, %cond3A : i32
        scf.if %cond3A_37 {
          %dma_wait3A = arith.constant 0 : i32
          %dma_wait3A_59 = tpu.memref_slice %arg7[%scan3A_26, %dma_wait3A] : memref<16x128xi32, #tpu.memory_space<vmem>> -> memref<1x128xi32, #tpu.memory_space<vmem>>
          %dma_wait3A_60 = tpu.memref_squeeze %dma_wait3A_59 : memref<1x128xi32, #tpu.memory_space<vmem>> -> memref<128xi32, #tpu.memory_space<vmem>>
          %dma_wait3A_61 = arith.constant 0 : i32
          %dma_wait3A_62 = arith.constant 0 : i32
          %dma_wait3A_63 = tpu.memref_slice %arg2[%dma_wait3A_61, %dma_wait3A_62] : memref<20000x128xf32, #tpu.memory_space<hbm>> -> memref<20000x128xf32, #tpu.memory_space<hbm>>
          tpu.wait_indirect_dma semaphore(%arg12 : memref<!tpu.dma_semaphore, #tpu.memory_space<semaphore_mem>>) src(%dma_wait3A_63 : memref<20000x128xf32, #tpu.memory_space<hbm>>) dst(%arg9 : memref<128x128xf32, #tpu.memory_space<vmem>>)
          %add3A_64 = arith.constant 1 : i32
          %add3A_65 = arith.addi %scan3A_26, %add3A_64 : i32
          %lt3A_66 = arith.constant 16 : i32
          %lt3A_67 = arith.cmpi slt, %add3A_65, %lt3A_66 : i32
          %convert_element_type3A_68 = arith.extui %lt3A_67 : i1 to i32
          %cond3A_69 = arith.constant 0 : i32
          %cond3A_70 = arith.cmpi ne, %convert_element_type3A_68, %cond3A_69 : i32
          scf.if %cond3A_70 {
            %add3A_71 = arith.constant 1 : i32
            %add3A_72 = arith.addi %scan3A_26, %add3A_71 : i32
            %dma_start3A_73 = arith.constant 0 : i32
            %dma_start3A_74 = tpu.memref_slice %arg7[%add3A_72, %dma_start3A_73] : memref<16x128xi32, #tpu.memory_space<vmem>> -> memref<1x128xi32, #tpu.memory_space<vmem>>
            %dma_start3A_75 = tpu.memref_squeeze %dma_start3A_74 : memref<1x128xi32, #tpu.memory_space<vmem>> -> memref<128xi32, #tpu.memory_space<vmem>>
            %dma_start3A_76 = arith.constant 0 : i32
            %dma_start3A_77 = arith.constant 0 : i32
            %dma_start3A_78 = tpu.memref_slice %arg2[%dma_start3A_76, %dma_start3A_77] : memref<20000x128xf32, #tpu.memory_space<hbm>> -> memref<20000x128xf32, #tpu.memory_space<hbm>>
            tpu.enqueue_indirect_dma source(%dma_start3A_78 : memref<20000x128xf32, #tpu.memory_space<hbm>>) target(%arg10 : memref<128x128xf32, #tpu.memory_space<vmem>>) offsets(%dma_start3A_75 : memref<128xi32, #tpu.memory_space<vmem>>) semaphore(%arg13 : memref<!tpu.dma_semaphore, #tpu.memory_space<semaphore_mem>>)
          } else {
          }
          "tpu.region"() ({
            %run_scoped3A = tpu.sem_alloc : memref<!tpu.dma_semaphore, #tpu.memory_space<semaphore_mem>>
            %dma_start3A_71 = arith.constant 0 : i32
            %dma_start3A_72 = tpu.memref_slice %arg8[%scan3A_26, %dma_start3A_71] : memref<16x128xi32, #tpu.memory_space<vmem>> -> memref<1x128xi32, #tpu.memory_space<vmem>>
            %dma_start3A_73 = tpu.memref_squeeze %dma_start3A_72 : memref<1x128xi32, #tpu.memory_space<vmem>> -> memref<128xi32, #tpu.memory_space<vmem>>
            %dma_start3A_74 = arith.constant 0 : i32
            %dma_start3A_75 = arith.constant 0 : i32
            %dma_start3A_76 = tpu.memref_slice %arg11[%dma_start3A_74, %dma_start3A_75] : memref<10240x128xf32, #tpu.memory_space<vmem_shared>> -> memref<10240x128xf32, #tpu.memory_space<vmem_shared>>
            tpu.enqueue_indirect_dma source(%arg9 : memref<128x128xf32, #tpu.memory_space<vmem>>) target(%dma_start3A_76 : memref<10240x128xf32, #tpu.memory_space<vmem_shared>>) offsets(%dma_start3A_73 : memref<128xi32, #tpu.memory_space<vmem>>) semaphore(%run_scoped3A : memref<!tpu.dma_semaphore, #tpu.memory_space<semaphore_mem>>) {add = true}
            %dma_wait3A_77 = arith.constant 0 : i32
            %dma_wait3A_78 = tpu.memref_slice %arg8[%scan3A_26, %dma_wait3A_77] : memref<16x128xi32, #tpu.memory_space<vmem>> -> memref<1x128xi32, #tpu.memory_space<vmem>>
            %dma_wait3A_79 = tpu.memref_squeeze %dma_wait3A_78 : memref<1x128xi32, #tpu.memory_space<vmem>> -> memref<128xi32, #tpu.memory_space<vmem>>
            %dma_wait3A_80 = arith.constant 0 : i32
            %dma_wait3A_81 = arith.constant 0 : i32
            %dma_wait3A_82 = tpu.memref_slice %arg11[%dma_wait3A_80, %dma_wait3A_81] : memref<10240x128xf32, #tpu.memory_space<vmem_shared>> -> memref<10240x128xf32, #tpu.memory_space<vmem_shared>>
            tpu.wait_indirect_dma semaphore(%run_scoped3A : memref<!tpu.dma_semaphore, #tpu.memory_space<semaphore_mem>>) src(%arg9 : memref<128x128xf32, #tpu.memory_space<vmem>>) dst(%dma_wait3A_82 : memref<10240x128xf32, #tpu.memory_space<vmem_shared>>)
            tpu.yield
          }) : () -> ()
        } else {
        }
        %jit3A_38 = arith.constant 2 : i32
        %eq3A_39 = arith.constant 0 : i32
        %eq3A_40 = arith.cmpi eq, %jit3A_38, %eq3A_39 : i32
        %jit3A_41 = arith.constant 1 : i32
        %select_n3A_42 = arith.select %eq3A_40, %jit3A_41, %jit3A_38 : i32
        %rem3A_43 = arith.remsi %scan3A_26, %select_n3A_42 : i32
        %ne3A_44 = arith.constant 0 : i32
        %ne3A_45 = arith.cmpi ne, %rem3A_43, %ne3A_44 : i32
        %lt3A_46 = arith.constant 0 : i32
        %lt3A_47 = arith.cmpi slt, %rem3A_43, %lt3A_46 : i32
        %lt3A_48 = arith.constant 0 : i32
        %lt3A_49 = arith.cmpi slt, %select_n3A_42, %lt3A_48 : i32
        %ne3A_50 = arith.xori %lt3A_47, %lt3A_49 : i1
        %and3A_51 = arith.andi %ne3A_50, %ne3A_45 : i1
        %add3A_52 = arith.addi %rem3A_43, %select_n3A_42 : i32
        %select_n3A_53 = arith.select %and3A_51, %add3A_52, %rem3A_43 : i32
        %eq3A_54 = arith.constant 1 : i32
        %eq3A_55 = arith.cmpi eq, %select_n3A_53, %eq3A_54 : i32
        %convert_element_type3A_56 = arith.extui %eq3A_55 : i1 to i32
        %cond3A_57 = arith.constant 0 : i32
        %cond3A_58 = arith.cmpi ne, %convert_element_type3A_56, %cond3A_57 : i32
        scf.if %cond3A_58 {
          %dma_wait3A = arith.constant 0 : i32
          %dma_wait3A_59 = tpu.memref_slice %arg7[%scan3A_26, %dma_wait3A] : memref<16x128xi32, #tpu.memory_space<vmem>> -> memref<1x128xi32, #tpu.memory_space<vmem>>
          %dma_wait3A_60 = tpu.memref_squeeze %dma_wait3A_59 : memref<1x128xi32, #tpu.memory_space<vmem>> -> memref<128xi32, #tpu.memory_space<vmem>>
          %dma_wait3A_61 = arith.constant 0 : i32
          %dma_wait3A_62 = arith.constant 0 : i32
          %dma_wait3A_63 = tpu.memref_slice %arg2[%dma_wait3A_61, %dma_wait3A_62] : memref<20000x128xf32, #tpu.memory_space<hbm>> -> memref<20000x128xf32, #tpu.memory_space<hbm>>
          tpu.wait_indirect_dma semaphore(%arg13 : memref<!tpu.dma_semaphore, #tpu.memory_space<semaphore_mem>>) src(%dma_wait3A_63 : memref<20000x128xf32, #tpu.memory_space<hbm>>) dst(%arg10 : memref<128x128xf32, #tpu.memory_space<vmem>>)
          %add3A_64 = arith.constant 1 : i32
          %add3A_65 = arith.addi %scan3A_26, %add3A_64 : i32
          %lt3A_66 = arith.constant 16 : i32
          %lt3A_67 = arith.cmpi slt, %add3A_65, %lt3A_66 : i32
          %convert_element_type3A_68 = arith.extui %lt3A_67 : i1 to i32
          %cond3A_69 = arith.constant 0 : i32
          %cond3A_70 = arith.cmpi ne, %convert_element_type3A_68, %cond3A_69 : i32
          scf.if %cond3A_70 {
            %add3A_71 = arith.constant 1 : i32
            %add3A_72 = arith.addi %scan3A_26, %add3A_71 : i32
            %dma_start3A_73 = arith.constant 0 : i32
            %dma_start3A_74 = tpu.memref_slice %arg7[%add3A_72, %dma_start3A_73] : memref<16x128xi32, #tpu.memory_space<vmem>> -> memref<1x128xi32, #tpu.memory_space<vmem>>
            %dma_start3A_75 = tpu.memref_squeeze %dma_start3A_74 : memref<1x128xi32, #tpu.memory_space<vmem>> -> memref<128xi32, #tpu.memory_space<vmem>>
            %dma_start3A_76 = arith.constant 0 : i32
            %dma_start3A_77 = arith.constant 0 : i32
            %dma_start3A_78 = tpu.memref_slice %arg2[%dma_start3A_76, %dma_start3A_77] : memref<20000x128xf32, #tpu.memory_space<hbm>> -> memref<20000x128xf32, #tpu.memory_space<hbm>>
            tpu.enqueue_indirect_dma source(%dma_start3A_78 : memref<20000x128xf32, #tpu.memory_space<hbm>>) target(%arg9 : memref<128x128xf32, #tpu.memory_space<vmem>>) offsets(%dma_start3A_75 : memref<128xi32, #tpu.memory_space<vmem>>) semaphore(%arg12 : memref<!tpu.dma_semaphore, #tpu.memory_space<semaphore_mem>>)
          } else {
          }
          "tpu.region"() ({
            %run_scoped3A = tpu.sem_alloc : memref<!tpu.dma_semaphore, #tpu.memory_space<semaphore_mem>>
            %dma_start3A_71 = arith.constant 0 : i32
            %dma_start3A_72 = tpu.memref_slice %arg8[%scan3A_26, %dma_start3A_71] : memref<16x128xi32, #tpu.memory_space<vmem>> -> memref<1x128xi32, #tpu.memory_space<vmem>>
            %dma_start3A_73 = tpu.memref_squeeze %dma_start3A_72 : memref<1x128xi32, #tpu.memory_space<vmem>> -> memref<128xi32, #tpu.memory_space<vmem>>
            %dma_start3A_74 = arith.constant 0 : i32
            %dma_start3A_75 = arith.constant 0 : i32
            %dma_start3A_76 = tpu.memref_slice %arg11[%dma_start3A_74, %dma_start3A_75] : memref<10240x128xf32, #tpu.memory_space<vmem_shared>> -> memref<10240x128xf32, #tpu.memory_space<vmem_shared>>
            tpu.enqueue_indirect_dma source(%arg10 : memref<128x128xf32, #tpu.memory_space<vmem>>) target(%dma_start3A_76 : memref<10240x128xf32, #tpu.memory_space<vmem_shared>>) offsets(%dma_start3A_73 : memref<128xi32, #tpu.memory_space<vmem>>) semaphore(%run_scoped3A : memref<!tpu.dma_semaphore, #tpu.memory_space<semaphore_mem>>) {add = true}
            %dma_wait3A_77 = arith.constant 0 : i32
            %dma_wait3A_78 = tpu.memref_slice %arg8[%scan3A_26, %dma_wait3A_77] : memref<16x128xi32, #tpu.memory_space<vmem>> -> memref<1x128xi32, #tpu.memory_space<vmem>>
            %dma_wait3A_79 = tpu.memref_squeeze %dma_wait3A_78 : memref<1x128xi32, #tpu.memory_space<vmem>> -> memref<128xi32, #tpu.memory_space<vmem>>
            %dma_wait3A_80 = arith.constant 0 : i32
            %dma_wait3A_81 = arith.constant 0 : i32
            %dma_wait3A_82 = tpu.memref_slice %arg11[%dma_wait3A_80, %dma_wait3A_81] : memref<10240x128xf32, #tpu.memory_space<vmem_shared>> -> memref<10240x128xf32, #tpu.memory_space<vmem_shared>>
            tpu.wait_indirect_dma semaphore(%run_scoped3A : memref<!tpu.dma_semaphore, #tpu.memory_space<semaphore_mem>>) src(%arg10 : memref<128x128xf32, #tpu.memory_space<vmem>>) dst(%dma_wait3A_82 : memref<10240x128xf32, #tpu.memory_space<vmem_shared>>)
            tpu.yield
          }) : () -> ()
        } else {
        }
      }
      %scan3A_25 = arith.constant 16 : i32
    }
    %scan3A_5 = arith.constant 10 : i32
    %barrier3A_6 = arith.constant 0 : index
    tpu.barrier barrier_id(%barrier3A_6)
    %mul3A_7 = arith.constant 128 : i32
    %mul3A_8 = arith.muli %arg0, %mul3A_7 : i32
    "tpu.region"() ({
      %run_scoped3A = tpu.sem_alloc : memref<!tpu.dma_semaphore, #tpu.memory_space<semaphore_mem>>
      %dma_start3A = tpu.memref_slice %arg6[%mul3A_0, %mul3A_8] : memref<10240x256xf32, #tpu.memory_space<hbm>> -> memref<640x128xf32, #tpu.memory_space<hbm>>
      %dma_start3A_9 = arith.constant 0 : i32
      %dma_start3A_10 = tpu.memref_slice %arg11[%mul3A_0, %dma_start3A_9] : memref<10240x128xf32, #tpu.memory_space<vmem_shared>> -> memref<640x128xf32, #tpu.memory_space<vmem_shared>>
      tpu.enqueue_dma source(%dma_start3A_10 : memref<640x128xf32, #tpu.memory_space<vmem_shared>>) target(%dma_start3A : memref<640x128xf32, #tpu.memory_space<hbm>>) target_semaphore(%run_scoped3A : memref<!tpu.dma_semaphore, #tpu.memory_space<semaphore_mem>>)
      %dma_wait3A = tpu.memref_slice %arg6[%mul3A_0, %mul3A_8] : memref<10240x256xf32, #tpu.memory_space<hbm>> -> memref<640x128xf32, #tpu.memory_space<hbm>>
      %dma_wait3A_11 = arith.constant 0 : i32
      %dma_wait3A_12 = tpu.memref_slice %arg11[%mul3A_0, %dma_wait3A_11] : memref<10240x128xf32, #tpu.memory_space<vmem_shared>> -> memref<640x128xf32, #tpu.memory_space<vmem_shared>>
      tpu.wait_dma2 semaphore(%run_scoped3A : memref<!tpu.dma_semaphore, #tpu.memory_space<semaphore_mem>>) src(%dma_wait3A_12 : memref<640x128xf32, #tpu.memory_space<vmem_shared>>) dst(%dma_wait3A : memref<640x128xf32, #tpu.memory_space<hbm>>)
      tpu.yield
    }) : () -> ()
    return
  }
}

#map = affine_map<(d0, d1) -> (0, 0, 0)>
#map1 = affine_map<(d0, d1) -> (0)>
#map2 = affine_map<(d0, d1) -> (0, 0)>
module attributes {stable_mosaic.version = 14 : i64} {
  func.func @_sc_deg(%arg0: i32, %arg1: i32, %arg2: memref<16x160x128xi32, #tpu.memory_space<hbm>>, %arg3: memref<10240xf32, #tpu.memory_space<hbm>>, %arg4: memref<2x10240xf32, #tpu.memory_space<hbm>>, %arg5: memref<160x128xi32, #tpu.memory_space<vmem>>, %arg6: memref<128xf32, #tpu.memory_space<vmem>>, %arg7: memref<10240xf32, #tpu.memory_space<vmem_shared>>, %arg8: memref<!tpu.dma_semaphore, #tpu.memory_space<semaphore_mem>>) attributes {dimension_semantics = [#tpu.dimension_semantics<core_parallel>, #tpu.dimension_semantics<subcore_parallel>], iteration_bounds = array<i64: 2, 16>, scalar_prefetch = 0 : i64, scratch_operands = 4 : i64, tpu.core_type = #tpu.core_type<sc_vector_subcore>, window_params = [{transform_indices = #map}, {transform_indices = #map1}, {transform_indices = #map2}]} {
    %mul3A = arith.constant 640 : i32
    %mul3A_0 = arith.muli %arg1, %mul3A : i32
    %broadcast_in_dim3A = arith.constant 1.000000e+00 : f32
    %broadcast_in_dim3A_1 = vector.broadcast %broadcast_in_dim3A : f32 to vector<16xf32>
    %swap3A = arith.constant 0 : index
    %swap3A_2 = tpu.vector_load %arg6[%swap3A] {strides = array<i32>} : memref<128xf32, #tpu.memory_space<vmem>>, vector<16xf32>,
    %swap3A_3 = vector.shape_cast %swap3A_2 : vector<16xf32> to vector<16xf32>
    %swap3A_4 = vector.shape_cast %broadcast_in_dim3A_1 : vector<16xf32> to vector<16xf32>
    tpu.vector_store %arg6[%swap3A], %swap3A_4 {strides = array<i32>} : memref<128xf32, #tpu.memory_space<vmem>>, vector<16xf32>,
    %broadcast_in_dim3A_5 = arith.constant 1.000000e+00 : f32
    %broadcast_in_dim3A_6 = vector.broadcast %broadcast_in_dim3A_5 : f32 to vector<16xf32>
    %swap3A_7 = arith.constant 16 : index
    %swap3A_8 = tpu.vector_load %arg6[%swap3A_7] {strides = array<i32>} : memref<128xf32, #tpu.memory_space<vmem>>, vector<16xf32>,
    %swap3A_9 = vector.shape_cast %swap3A_8 : vector<16xf32> to vector<16xf32>
    %swap3A_10 = vector.shape_cast %broadcast_in_dim3A_6 : vector<16xf32> to vector<16xf32>
    tpu.vector_store %arg6[%swap3A_7], %swap3A_10 {strides = array<i32>} : memref<128xf32, #tpu.memory_space<vmem>>, vector<16xf32>,
    %broadcast_in_dim3A_11 = arith.constant 1.000000e+00 : f32
    %broadcast_in_dim3A_12 = vector.broadcast %broadcast_in_dim3A_11 : f32 to vector<16xf32>
    %swap3A_13 = arith.constant 32 : index
    %swap3A_14 = tpu.vector_load %arg6[%swap3A_13] {strides = array<i32>} : memref<128xf32, #tpu.memory_space<vmem>>, vector<16xf32>,
    %swap3A_15 = vector.shape_cast %swap3A_14 : vector<16xf32> to vector<16xf32>
    %swap3A_16 = vector.shape_cast %broadcast_in_dim3A_12 : vector<16xf32> to vector<16xf32>
    tpu.vector_store %arg6[%swap3A_13], %swap3A_16 {strides = array<i32>} : memref<128xf32, #tpu.memory_space<vmem>>, vector<16xf32>,
    %broadcast_in_dim3A_17 = arith.constant 1.000000e+00 : f32
    %broadcast_in_dim3A_18 = vector.broadcast %broadcast_in_dim3A_17 : f32 to vector<16xf32>
    %swap3A_19 = arith.constant 48 : index
    %swap3A_20 = tpu.vector_load %arg6[%swap3A_19] {strides = array<i32>} : memref<128xf32, #tpu.memory_space<vmem>>, vector<16xf32>,
    %swap3A_21 = vector.shape_cast %swap3A_20 : vector<16xf32> to vector<16xf32>
    %swap3A_22 = vector.shape_cast %broadcast_in_dim3A_18 : vector<16xf32> to vector<16xf32>
    tpu.vector_store %arg6[%swap3A_19], %swap3A_22 {strides = array<i32>} : memref<128xf32, #tpu.memory_space<vmem>>, vector<16xf32>,
    %broadcast_in_dim3A_23 = arith.constant 1.000000e+00 : f32
    %broadcast_in_dim3A_24 = vector.broadcast %broadcast_in_dim3A_23 : f32 to vector<16xf32>
    %swap3A_25 = arith.constant 64 : index
    %swap3A_26 = tpu.vector_load %arg6[%swap3A_25] {strides = array<i32>} : memref<128xf32, #tpu.memory_space<vmem>>, vector<16xf32>,
    %swap3A_27 = vector.shape_cast %swap3A_26 : vector<16xf32> to vector<16xf32>
    %swap3A_28 = vector.shape_cast %broadcast_in_dim3A_24 : vector<16xf32> to vector<16xf32>
    tpu.vector_store %arg6[%swap3A_25], %swap3A_28 {strides = array<i32>} : memref<128xf32, #tpu.memory_space<vmem>>, vector<16xf32>,
    %broadcast_in_dim3A_29 = arith.constant 1.000000e+00 : f32
    %broadcast_in_dim3A_30 = vector.broadcast %broadcast_in_dim3A_29 : f32 to vector<16xf32>
    %swap3A_31 = arith.constant 80 : index
    %swap3A_32 = tpu.vector_load %arg6[%swap3A_31] {strides = array<i32>} : memref<128xf32, #tpu.memory_space<vmem>>, vector<16xf32>,
    %swap3A_33 = vector.shape_cast %swap3A_32 : vector<16xf32> to vector<16xf32>
    %swap3A_34 = vector.shape_cast %broadcast_in_dim3A_30 : vector<16xf32> to vector<16xf32>
    tpu.vector_store %arg6[%swap3A_31], %swap3A_34 {strides = array<i32>} : memref<128xf32, #tpu.memory_space<vmem>>, vector<16xf32>,
    %broadcast_in_dim3A_35 = arith.constant 1.000000e+00 : f32
    %broadcast_in_dim3A_36 = vector.broadcast %broadcast_in_dim3A_35 : f32 to vector<16xf32>
    %swap3A_37 = arith.constant 96 : index
    %swap3A_38 = tpu.vector_load %arg6[%swap3A_37] {strides = array<i32>} : memref<128xf32, #tpu.memory_space<vmem>>, vector<16xf32>,
    %swap3A_39 = vector.shape_cast %swap3A_38 : vector<16xf32> to vector<16xf32>
    %swap3A_40 = vector.shape_cast %broadcast_in_dim3A_36 : vector<16xf32> to vector<16xf32>
    tpu.vector_store %arg6[%swap3A_37], %swap3A_40 {strides = array<i32>} : memref<128xf32, #tpu.memory_space<vmem>>, vector<16xf32>,
    %broadcast_in_dim3A_41 = arith.constant 1.000000e+00 : f32
    %broadcast_in_dim3A_42 = vector.broadcast %broadcast_in_dim3A_41 : f32 to vector<16xf32>
    %swap3A_43 = arith.constant 112 : index
    %swap3A_44 = tpu.vector_load %arg6[%swap3A_43] {strides = array<i32>} : memref<128xf32, #tpu.memory_space<vmem>>, vector<16xf32>,
    %swap3A_45 = vector.shape_cast %swap3A_44 : vector<16xf32> to vector<16xf32>
    %swap3A_46 = vector.shape_cast %broadcast_in_dim3A_42 : vector<16xf32> to vector<16xf32>
    tpu.vector_store %arg6[%swap3A_43], %swap3A_46 {strides = array<i32>} : memref<128xf32, #tpu.memory_space<vmem>>, vector<16xf32>,
    "tpu.region"() ({
      %run_scoped3A = tpu.sem_alloc : memref<!tpu.dma_semaphore, #tpu.memory_space<semaphore_mem>>
      %dma_start3A = tpu.memref_slice %arg7[%mul3A_0] : memref<10240xf32, #tpu.memory_space<vmem_shared>> -> memref<640xf32, #tpu.memory_space<vmem_shared>>
      %dma_start3A_53 = tpu.memref_slice %arg3[%mul3A_0] : memref<10240xf32, #tpu.memory_space<hbm>> -> memref<640xf32, #tpu.memory_space<hbm>>
      tpu.enqueue_dma source(%dma_start3A_53 : memref<640xf32, #tpu.memory_space<hbm>>) target(%dma_start3A : memref<640xf32, #tpu.memory_space<vmem_shared>>) target_semaphore(%run_scoped3A : memref<!tpu.dma_semaphore, #tpu.memory_space<semaphore_mem>>)
      %dma_wait3A = tpu.memref_slice %arg7[%mul3A_0] : memref<10240xf32, #tpu.memory_space<vmem_shared>> -> memref<640xf32, #tpu.memory_space<vmem_shared>>
      %dma_wait3A_54 = tpu.memref_slice %arg3[%mul3A_0] : memref<10240xf32, #tpu.memory_space<hbm>> -> memref<640xf32, #tpu.memory_space<hbm>>
      tpu.wait_dma2 semaphore(%run_scoped3A : memref<!tpu.dma_semaphore, #tpu.memory_space<semaphore_mem>>) src(%dma_wait3A_54 : memref<640xf32, #tpu.memory_space<hbm>>) dst(%dma_wait3A : memref<640xf32, #tpu.memory_space<vmem_shared>>)
      tpu.yield
    }) : () -> ()
    "tpu.region"() ({
      %run_scoped3A = tpu.sem_alloc : memref<!tpu.dma_semaphore, #tpu.memory_space<semaphore_mem>>
      %dma_start3A = arith.constant 0 : i32
      %dma_start3A_53 = arith.constant 0 : i32
      %dma_start3A_54 = tpu.memref_slice %arg2[%arg1, %dma_start3A, %dma_start3A_53] : memref<16x160x128xi32, #tpu.memory_space<hbm>> -> memref<1x160x128xi32, #tpu.memory_space<hbm>>
      %dma_start3A_55 = tpu.memref_squeeze %dma_start3A_54 : memref<1x160x128xi32, #tpu.memory_space<hbm>> -> memref<160x128xi32, #tpu.memory_space<hbm>>
      %dma_start3A_56 = arith.constant 0 : i32
      %dma_start3A_57 = arith.constant 0 : i32
      %dma_start3A_58 = tpu.memref_slice %arg2[%arg1, %dma_start3A_56, %dma_start3A_57] : memref<16x160x128xi32, #tpu.memory_space<hbm>> -> memref<1x160x128xi32, #tpu.memory_space<hbm>>
      %dma_start3A_59 = tpu.memref_squeeze %dma_start3A_58 : memref<1x160x128xi32, #tpu.memory_space<hbm>> -> memref<160x128xi32, #tpu.memory_space<hbm>>
      tpu.enqueue_dma source(%dma_start3A_59 : memref<160x128xi32, #tpu.memory_space<hbm>>) target(%arg5 : memref<160x128xi32, #tpu.memory_space<vmem>>) target_semaphore(%run_scoped3A : memref<!tpu.dma_semaphore, #tpu.memory_space<semaphore_mem>>)
      %dma_wait3A = arith.constant 0 : i32
      %dma_wait3A_60 = arith.constant 0 : i32
      %dma_wait3A_61 = tpu.memref_slice %arg2[%arg1, %dma_wait3A, %dma_wait3A_60] : memref<16x160x128xi32, #tpu.memory_space<hbm>> -> memref<1x160x128xi32, #tpu.memory_space<hbm>>
      %dma_wait3A_62 = tpu.memref_squeeze %dma_wait3A_61 : memref<1x160x128xi32, #tpu.memory_space<hbm>> -> memref<160x128xi32, #tpu.memory_space<hbm>>
      %dma_wait3A_63 = arith.constant 0 : i32
      %dma_wait3A_64 = arith.constant 0 : i32
      %dma_wait3A_65 = tpu.memref_slice %arg2[%arg1, %dma_wait3A_63, %dma_wait3A_64] : memref<16x160x128xi32, #tpu.memory_space<hbm>> -> memref<1x160x128xi32, #tpu.memory_space<hbm>>
      %dma_wait3A_66 = tpu.memref_squeeze %dma_wait3A_65 : memref<1x160x128xi32, #tpu.memory_space<hbm>> -> memref<160x128xi32, #tpu.memory_space<hbm>>
      tpu.wait_dma2 semaphore(%run_scoped3A : memref<!tpu.dma_semaphore, #tpu.memory_space<semaphore_mem>>) src(%dma_wait3A_66 : memref<160x128xi32, #tpu.memory_space<hbm>>) dst(%arg5 : memref<160x128xi32, #tpu.memory_space<vmem>>)
      tpu.yield
    }) : () -> ()
    %barrier3A = arith.constant 0 : index
    tpu.barrier barrier_id(%barrier3A)
    %scan3A = arith.constant 0 : i32
    %scan3A_47 = arith.constant 0 : i32
    %scan3A_48 = arith.constant 160 : i32
    %scan3A_49 = arith.addi %scan3A_47, %scan3A_48 : i32
    %scan3A_50 = arith.constant 1 : i32
    scf.for %scan3A_53 = %scan3A_47 to %scan3A_49 step %scan3A_50  : i32 {
      %jit3A = arith.constant 2 : i32
      %eq3A = arith.constant 0 : i32
      %eq3A_54 = arith.cmpi eq, %jit3A, %eq3A : i32
      %jit3A_55 = arith.constant 1 : i32
      %select_n3A = arith.select %eq3A_54, %jit3A_55, %jit3A : i32
      %rem3A = arith.remsi %scan3A_53, %select_n3A : i32
      %ne3A = arith.constant 0 : i32
      %ne3A_56 = arith.cmpi ne, %rem3A, %ne3A : i32
      %lt3A = arith.constant 0 : i32
      %lt3A_57 = arith.cmpi slt, %rem3A, %lt3A : i32
      %lt3A_58 = arith.constant 0 : i32
      %lt3A_59 = arith.cmpi slt, %select_n3A, %lt3A_58 : i32
      %ne3A_60 = arith.xori %lt3A_57, %lt3A_59 : i1
      %and3A = arith.andi %ne3A_60, %ne3A_56 : i1
      %add3A = arith.addi %rem3A, %select_n3A : i32
      %select_n3A_61 = arith.select %and3A, %add3A, %rem3A : i32
      %eq3A_62 = arith.cmpi eq, %select_n3A_61, %arg0 : i32
      %convert_element_type3A = arith.extui %eq3A_62 : i1 to i32
      %cond3A = arith.constant 0 : i32
      %cond3A_63 = arith.cmpi ne, %convert_element_type3A, %cond3A : i32
      scf.if %cond3A_63 {
        "tpu.region"() ({
          %run_scoped3A = tpu.sem_alloc : memref<!tpu.dma_semaphore, #tpu.memory_space<semaphore_mem>>
          %dma_start3A = arith.constant 0 : i32
          %dma_start3A_64 = tpu.memref_slice %arg5[%scan3A_53, %dma_start3A] : memref<160x128xi32, #tpu.memory_space<vmem>> -> memref<1x128xi32, #tpu.memory_space<vmem>>
          %dma_start3A_65 = tpu.memref_squeeze %dma_start3A_64 : memref<1x128xi32, #tpu.memory_space<vmem>> -> memref<128xi32, #tpu.memory_space<vmem>>
          %dma_start3A_66 = arith.constant 0 : i32
          %dma_start3A_67 = tpu.memref_slice %arg7[%dma_start3A_66] : memref<10240xf32, #tpu.memory_space<vmem_shared>> -> memref<10240xf32, #tpu.memory_space<vmem_shared>>
          tpu.enqueue_indirect_dma source(%arg6 : memref<128xf32, #tpu.memory_space<vmem>>) target(%dma_start3A_67 : memref<10240xf32, #tpu.memory_space<vmem_shared>>) offsets(%dma_start3A_65 : memref<128xi32, #tpu.memory_space<vmem>>) semaphore(%run_scoped3A : memref<!tpu.dma_semaphore, #tpu.memory_space<semaphore_mem>>) {add = true}
          %dma_wait3A = arith.constant 0 : i32
          %dma_wait3A_68 = tpu.memref_slice %arg5[%scan3A_53, %dma_wait3A] : memref<160x128xi32, #tpu.memory_space<vmem>> -> memref<1x128xi32, #tpu.memory_space<vmem>>
          %dma_wait3A_69 = tpu.memref_squeeze %dma_wait3A_68 : memref<1x128xi32, #tpu.memory_space<vmem>> -> memref<128xi32, #tpu.memory_space<vmem>>
          %dma_wait3A_70 = arith.constant 0 : i32
          %dma_wait3A_71 = tpu.memref_slice %arg7[%dma_wait3A_70] : memref<10240xf32, #tpu.memory_space<vmem_shared>> -> memref<10240xf32, #tpu.memory_space<vmem_shared>>
          tpu.wait_indirect_dma semaphore(%run_scoped3A : memref<!tpu.dma_semaphore, #tpu.memory_space<semaphore_mem>>) src(%arg6 : memref<128xf32, #tpu.memory_space<vmem>>) dst(%dma_wait3A_71 : memref<10240xf32, #tpu.memory_space<vmem_shared>>)
          tpu.yield
        }) : () -> ()
      } else {
      }
    }
    %scan3A_51 = arith.constant 160 : i32
    %barrier3A_52 = arith.constant 0 : index
    tpu.barrier barrier_id(%barrier3A_52)
    "tpu.region"() ({
      %run_scoped3A = tpu.sem_alloc : memref<!tpu.dma_semaphore, #tpu.memory_space<semaphore_mem>>
      %dma_start3A = tpu.memref_slice %arg4[%arg0, %mul3A_0] : memref<2x10240xf32, #tpu.memory_space<hbm>> -> memref<1x640xf32, #tpu.memory_space<hbm>>
      %dma_start3A_53 = tpu.memref_squeeze %dma_start3A : memref<1x640xf32, #tpu.memory_space<hbm>> -> memref<640xf32, #tpu.memory_space<hbm>>
      %dma_start3A_54 = tpu.memref_slice %arg7[%mul3A_0] : memref<10240xf32, #tpu.memory_space<vmem_shared>> -> memref<640xf32, #tpu.memory_space<vmem_shared>>
      tpu.enqueue_dma source(%dma_start3A_54 : memref<640xf32, #tpu.memory_space<vmem_shared>>) target(%dma_start3A_53 : memref<640xf32, #tpu.memory_space<hbm>>) target_semaphore(%run_scoped3A : memref<!tpu.dma_semaphore, #tpu.memory_space<semaphore_mem>>)
      %dma_wait3A = tpu.memref_slice %arg4[%arg0, %mul3A_0] : memref<2x10240xf32, #tpu.memory_space<hbm>> -> memref<1x640xf32, #tpu.memory_space<hbm>>
      %dma_wait3A_55 = tpu.memref_squeeze %dma_wait3A : memref<1x640xf32, #tpu.memory_space<hbm>> -> memref<640xf32, #tpu.memory_space<hbm>>
      %dma_wait3A_56 = tpu.memref_slice %arg7[%mul3A_0] : memref<10240xf32, #tpu.memory_space<vmem_shared>> -> memref<640xf32, #tpu.memory_space<vmem_shared>>
      tpu.wait_dma2 semaphore(%run_scoped3A : memref<!tpu.dma_semaphore, #tpu.memory_space<semaphore_mem>>) src(%dma_wait3A_56 : memref<640xf32, #tpu.memory_space<vmem_shared>>) dst(%dma_wait3A_55 : memref<640xf32, #tpu.memory_space<hbm>>)
      tpu.yield
    }) : () -> ()
    return
  }
}

#map = affine_map<(d0, d1) -> (0, 0)>
#map1 = affine_map<(d0, d1) -> (0, 0, 0, 0)>
#map2 = affine_map<(d0, d1) -> (0, 0, 0)>
module attributes {stable_mosaic.version = 14 : i64} {
  func.func @_sc_scatter(%arg0: i32, %arg1: i32, %arg2: memref<20000x128xf32, #tpu.memory_space<hbm>>, %arg3: memref<2x16x160x128xi32, #tpu.memory_space<hbm>>, %arg4: memref<16x160x128xi32, #tpu.memory_space<hbm>>, %arg5: memref<10240x128xf32, #tpu.memory_space<hbm>>, %arg6: memref<10240x256xf32, #tpu.memory_space<hbm>>, %arg7: memref<16x128xi32, #tpu.memory_space<vmem>>, %arg8: memref<16x128xi32, #tpu.memory_space<vmem>>, %arg9: memref<128x128xf32, #tpu.memory_space<vmem>>, %arg10: memref<128x128xf32, #tpu.memory_space<vmem>>, %arg11: memref<10240x128xf32, #tpu.memory_space<vmem_shared>>, %arg12: memref<!tpu.dma_semaphore, #tpu.memory_space<semaphore_mem>>, %arg13: memref<!tpu.dma_semaphore, #tpu.memory_space<semaphore_mem>>) attributes {dimension_semantics = [#tpu.dimension_semantics<core_parallel>, #tpu.dimension_semantics<subcore_parallel>], iteration_bounds = array<i64: 2, 16>, scalar_prefetch = 0 : i64, scratch_operands = 7 : i64, tpu.core_type = #tpu.core_type<sc_vector_subcore>, window_params = [{transform_indices = #map}, {transform_indices = #map1}, {transform_indices = #map2}, {transform_indices = #map}, {transform_indices = #map}]} {
    %mul3A = arith.constant 640 : i32
    %mul3A_0 = arith.muli %arg1, %mul3A : i32
    "tpu.region"() ({
      %run_scoped3A = tpu.sem_alloc : memref<!tpu.dma_semaphore, #tpu.memory_space<semaphore_mem>>
      %dma_start3A = arith.constant 0 : i32
      %dma_start3A_9 = tpu.memref_slice %arg11[%mul3A_0, %dma_start3A] : memref<10240x128xf32, #tpu.memory_space<vmem_shared>> -> memref<640x128xf32, #tpu.memory_space<vmem_shared>>
      %dma_start3A_10 = arith.constant 0 : i32
      %dma_start3A_11 = tpu.memref_slice %arg5[%mul3A_0, %dma_start3A_10] : memref<10240x128xf32, #tpu.memory_space<hbm>> -> memref<640x128xf32, #tpu.memory_space<hbm>>
      tpu.enqueue_dma source(%dma_start3A_11 : memref<640x128xf32, #tpu.memory_space<hbm>>) target(%dma_start3A_9 : memref<640x128xf32, #tpu.memory_space<vmem_shared>>) target_semaphore(%run_scoped3A : memref<!tpu.dma_semaphore, #tpu.memory_space<semaphore_mem>>)
      %dma_wait3A = arith.constant 0 : i32
      %dma_wait3A_12 = tpu.memref_slice %arg11[%mul3A_0, %dma_wait3A] : memref<10240x128xf32, #tpu.memory_space<vmem_shared>> -> memref<640x128xf32, #tpu.memory_space<vmem_shared>>
      %dma_wait3A_13 = arith.constant 0 : i32
      %dma_wait3A_14 = tpu.memref_slice %arg5[%mul3A_0, %dma_wait3A_13] : memref<10240x128xf32, #tpu.memory_space<hbm>> -> memref<640x128xf32, #tpu.memory_space<hbm>>
      tpu.wait_dma2 semaphore(%run_scoped3A : memref<!tpu.dma_semaphore, #tpu.memory_space<semaphore_mem>>) src(%dma_wait3A_14 : memref<640x128xf32, #tpu.memory_space<hbm>>) dst(%dma_wait3A_12 : memref<640x128xf32, #tpu.memory_space<vmem_shared>>)
      tpu.yield
    }) : () -> ()
    %barrier3A = arith.constant 0 : index
    tpu.barrier barrier_id(%barrier3A)
    %scan3A = arith.constant 0 : i32
    %scan3A_1 = arith.constant 0 : i32
    %scan3A_2 = arith.constant 10 : i32
    %scan3A_3 = arith.addi %scan3A_1, %scan3A_2 : i32
    %scan3A_4 = arith.constant 1 : i32
    scf.for %scan3A_9 = %scan3A_1 to %scan3A_3 step %scan3A_4  : i32 {
      %mul3A_10 = arith.constant 16 : i32
      %mul3A_11 = arith.muli %scan3A_9, %mul3A_10 : i32
      "tpu.region"() ({
        %run_scoped3A = tpu.sem_alloc : memref<!tpu.dma_semaphore, #tpu.memory_space<semaphore_mem>>
        %dma_start3A_26 = arith.constant 0 : i32
        %dma_start3A_27 = tpu.memref_slice %arg3[%arg0, %arg1, %mul3A_11, %dma_start3A_26] : memref<2x16x160x128xi32, #tpu.memory_space<hbm>> -> memref<1x1x16x128xi32, #tpu.memory_space<hbm>>
        %dma_start3A_28 = tpu.memref_squeeze %dma_start3A_27 : memref<1x1x16x128xi32, #tpu.memory_space<hbm>> -> memref<16x128xi32, #tpu.memory_space<hbm>>
        %dma_start3A_29 = arith.constant 0 : i32
        %dma_start3A_30 = tpu.memref_slice %arg3[%arg0, %arg1, %mul3A_11, %dma_start3A_29] : memref<2x16x160x128xi32, #tpu.memory_space<hbm>> -> memref<1x1x16x128xi32, #tpu.memory_space<hbm>>
        %dma_start3A_31 = tpu.memref_squeeze %dma_start3A_30 : memref<1x1x16x128xi32, #tpu.memory_space<hbm>> -> memref<16x128xi32, #tpu.memory_space<hbm>>
        tpu.enqueue_dma source(%dma_start3A_31 : memref<16x128xi32, #tpu.memory_space<hbm>>) target(%arg7 : memref<16x128xi32, #tpu.memory_space<vmem>>) target_semaphore(%run_scoped3A : memref<!tpu.dma_semaphore, #tpu.memory_space<semaphore_mem>>)
        %dma_wait3A = arith.constant 0 : i32
        %dma_wait3A_32 = tpu.memref_slice %arg3[%arg0, %arg1, %mul3A_11, %dma_wait3A] : memref<2x16x160x128xi32, #tpu.memory_space<hbm>> -> memref<1x1x16x128xi32, #tpu.memory_space<hbm>>
        %dma_wait3A_33 = tpu.memref_squeeze %dma_wait3A_32 : memref<1x1x16x128xi32, #tpu.memory_space<hbm>> -> memref<16x128xi32, #tpu.memory_space<hbm>>
        %dma_wait3A_34 = arith.constant 0 : i32
        %dma_wait3A_35 = tpu.memref_slice %arg3[%arg0, %arg1, %mul3A_11, %dma_wait3A_34] : memref<2x16x160x128xi32, #tpu.memory_space<hbm>> -> memref<1x1x16x128xi32, #tpu.memory_space<hbm>>
        %dma_wait3A_36 = tpu.memref_squeeze %dma_wait3A_35 : memref<1x1x16x128xi32, #tpu.memory_space<hbm>> -> memref<16x128xi32, #tpu.memory_space<hbm>>
        tpu.wait_dma2 semaphore(%run_scoped3A : memref<!tpu.dma_semaphore, #tpu.memory_space<semaphore_mem>>) src(%dma_wait3A_36 : memref<16x128xi32, #tpu.memory_space<hbm>>) dst(%arg7 : memref<16x128xi32, #tpu.memory_space<vmem>>)
        tpu.yield
      }) : () -> ()
      %mul3A_12 = arith.constant 16 : i32
      %mul3A_13 = arith.muli %scan3A_9, %mul3A_12 : i32
      "tpu.region"() ({
        %run_scoped3A = tpu.sem_alloc : memref<!tpu.dma_semaphore, #tpu.memory_space<semaphore_mem>>
        %dma_start3A_26 = arith.constant 0 : i32
        %dma_start3A_27 = tpu.memref_slice %arg4[%arg1, %mul3A_13, %dma_start3A_26] : memref<16x160x128xi32, #tpu.memory_space<hbm>> -> memref<1x16x128xi32, #tpu.memory_space<hbm>>
        %dma_start3A_28 = tpu.memref_squeeze %dma_start3A_27 : memref<1x16x128xi32, #tpu.memory_space<hbm>> -> memref<16x128xi32, #tpu.memory_space<hbm>>
        %dma_start3A_29 = arith.constant 0 : i32
        %dma_start3A_30 = tpu.memref_slice %arg4[%arg1, %mul3A_13, %dma_start3A_29] : memref<16x160x128xi32, #tpu.memory_space<hbm>> -> memref<1x16x128xi32, #tpu.memory_space<hbm>>
        %dma_start3A_31 = tpu.memref_squeeze %dma_start3A_30 : memref<1x16x128xi32, #tpu.memory_space<hbm>> -> memref<16x128xi32, #tpu.memory_space<hbm>>
        tpu.enqueue_dma source(%dma_start3A_31 : memref<16x128xi32, #tpu.memory_space<hbm>>) target(%arg8 : memref<16x128xi32, #tpu.memory_space<vmem>>) target_semaphore(%run_scoped3A : memref<!tpu.dma_semaphore, #tpu.memory_space<semaphore_mem>>)
        %dma_wait3A = arith.constant 0 : i32
        %dma_wait3A_32 = tpu.memref_slice %arg4[%arg1, %mul3A_13, %dma_wait3A] : memref<16x160x128xi32, #tpu.memory_space<hbm>> -> memref<1x16x128xi32, #tpu.memory_space<hbm>>
        %dma_wait3A_33 = tpu.memref_squeeze %dma_wait3A_32 : memref<1x16x128xi32, #tpu.memory_space<hbm>> -> memref<16x128xi32, #tpu.memory_space<hbm>>
        %dma_wait3A_34 = arith.constant 0 : i32
        %dma_wait3A_35 = tpu.memref_slice %arg4[%arg1, %mul3A_13, %dma_wait3A_34] : memref<16x160x128xi32, #tpu.memory_space<hbm>> -> memref<1x16x128xi32, #tpu.memory_space<hbm>>
        %dma_wait3A_36 = tpu.memref_squeeze %dma_wait3A_35 : memref<1x16x128xi32, #tpu.memory_space<hbm>> -> memref<16x128xi32, #tpu.memory_space<hbm>>
        tpu.wait_dma2 semaphore(%run_scoped3A : memref<!tpu.dma_semaphore, #tpu.memory_space<semaphore_mem>>) src(%dma_wait3A_36 : memref<16x128xi32, #tpu.memory_space<hbm>>) dst(%arg8 : memref<16x128xi32, #tpu.memory_space<vmem>>)
        tpu.yield
      }) : () -> ()
      %dma_start3A = arith.constant 0 : i32
      %dma_start3A_14 = arith.constant 0 : i32
      %dma_start3A_15 = tpu.memref_slice %arg7[%dma_start3A, %dma_start3A_14] : memref<16x128xi32, #tpu.memory_space<vmem>> -> memref<1x128xi32, #tpu.memory_space<vmem>>
      %dma_start3A_16 = tpu.memref_squeeze %dma_start3A_15 : memref<1x128xi32, #tpu.memory_space<vmem>> -> memref<128xi32, #tpu.memory_space<vmem>>
      %dma_start3A_17 = arith.constant 0 : i32
      %dma_start3A_18 = arith.constant 0 : i32
      %dma_start3A_19 = tpu.memref_slice %arg2[%dma_start3A_17, %dma_start3A_18] : memref<20000x128xf32, #tpu.memory_space<hbm>> -> memref<20000x128xf32, #tpu.memory_space<hbm>>
      tpu.enqueue_indirect_dma source(%dma_start3A_19 : memref<20000x128xf32, #tpu.memory_space<hbm>>) target(%arg9 : memref<128x128xf32, #tpu.memory_space<vmem>>) offsets(%dma_start3A_16 : memref<128xi32, #tpu.memory_space<vmem>>) semaphore(%arg12 : memref<!tpu.dma_semaphore, #tpu.memory_space<semaphore_mem>>)
      %scan3A_20 = arith.constant 0 : i32
      %scan3A_21 = arith.constant 0 : i32
      %scan3A_22 = arith.constant 16 : i32
      %scan3A_23 = arith.addi %scan3A_21, %scan3A_22 : i32
      %scan3A_24 = arith.constant 1 : i32
      scf.for %scan3A_26 = %scan3A_21 to %scan3A_23 step %scan3A_24  : i32 {
        %jit3A = arith.constant 2 : i32
        %eq3A = arith.constant 0 : i32
        %eq3A_27 = arith.cmpi eq, %jit3A, %eq3A : i32
        %jit3A_28 = arith.constant 1 : i32
        %select_n3A = arith.select %eq3A_27, %jit3A_28, %jit3A : i32
        %rem3A = arith.remsi %scan3A_26, %select_n3A : i32
        %ne3A = arith.constant 0 : i32
        %ne3A_29 = arith.cmpi ne, %rem3A, %ne3A : i32
        %lt3A = arith.constant 0 : i32
        %lt3A_30 = arith.cmpi slt, %rem3A, %lt3A : i32
        %lt3A_31 = arith.constant 0 : i32
        %lt3A_32 = arith.cmpi slt, %select_n3A, %lt3A_31 : i32
        %ne3A_33 = arith.xori %lt3A_30, %lt3A_32 : i1
        %and3A = arith.andi %ne3A_33, %ne3A_29 : i1
        %add3A = arith.addi %rem3A, %select_n3A : i32
        %select_n3A_34 = arith.select %and3A, %add3A, %rem3A : i32
        %eq3A_35 = arith.constant 0 : i32
        %eq3A_36 = arith.cmpi eq, %select_n3A_34, %eq3A_35 : i32
        %convert_element_type3A = arith.extui %eq3A_36 : i1 to i32
        %cond3A = arith.constant 0 : i32
        %cond3A_37 = arith.cmpi ne, %convert_element_type3A, %cond3A : i32
        scf.if %cond3A_37 {
          %dma_wait3A = arith.constant 0 : i32
          %dma_wait3A_59 = tpu.memref_slice %arg7[%scan3A_26, %dma_wait3A] : memref<16x128xi32, #tpu.memory_space<vmem>> -> memref<1x128xi32, #tpu.memory_space<vmem>>
          %dma_wait3A_60 = tpu.memref_squeeze %dma_wait3A_59 : memref<1x128xi32, #tpu.memory_space<vmem>> -> memref<128xi32, #tpu.memory_space<vmem>>
          %dma_wait3A_61 = arith.constant 0 : i32
          %dma_wait3A_62 = arith.constant 0 : i32
          %dma_wait3A_63 = tpu.memref_slice %arg2[%dma_wait3A_61, %dma_wait3A_62] : memref<20000x128xf32, #tpu.memory_space<hbm>> -> memref<20000x128xf32, #tpu.memory_space<hbm>>
          tpu.wait_indirect_dma semaphore(%arg12 : memref<!tpu.dma_semaphore, #tpu.memory_space<semaphore_mem>>) src(%dma_wait3A_63 : memref<20000x128xf32, #tpu.memory_space<hbm>>) dst(%arg9 : memref<128x128xf32, #tpu.memory_space<vmem>>)
          %add3A_64 = arith.constant 1 : i32
          %add3A_65 = arith.addi %scan3A_26, %add3A_64 : i32
          %lt3A_66 = arith.constant 16 : i32
          %lt3A_67 = arith.cmpi slt, %add3A_65, %lt3A_66 : i32
          %convert_element_type3A_68 = arith.extui %lt3A_67 : i1 to i32
          %cond3A_69 = arith.constant 0 : i32
          %cond3A_70 = arith.cmpi ne, %convert_element_type3A_68, %cond3A_69 : i32
          scf.if %cond3A_70 {
            %add3A_71 = arith.constant 1 : i32
            %add3A_72 = arith.addi %scan3A_26, %add3A_71 : i32
            %dma_start3A_73 = arith.constant 0 : i32
            %dma_start3A_74 = tpu.memref_slice %arg7[%add3A_72, %dma_start3A_73] : memref<16x128xi32, #tpu.memory_space<vmem>> -> memref<1x128xi32, #tpu.memory_space<vmem>>
            %dma_start3A_75 = tpu.memref_squeeze %dma_start3A_74 : memref<1x128xi32, #tpu.memory_space<vmem>> -> memref<128xi32, #tpu.memory_space<vmem>>
            %dma_start3A_76 = arith.constant 0 : i32
            %dma_start3A_77 = arith.constant 0 : i32
            %dma_start3A_78 = tpu.memref_slice %arg2[%dma_start3A_76, %dma_start3A_77] : memref<20000x128xf32, #tpu.memory_space<hbm>> -> memref<20000x128xf32, #tpu.memory_space<hbm>>
            tpu.enqueue_indirect_dma source(%dma_start3A_78 : memref<20000x128xf32, #tpu.memory_space<hbm>>) target(%arg10 : memref<128x128xf32, #tpu.memory_space<vmem>>) offsets(%dma_start3A_75 : memref<128xi32, #tpu.memory_space<vmem>>) semaphore(%arg13 : memref<!tpu.dma_semaphore, #tpu.memory_space<semaphore_mem>>)
          } else {
          }
          "tpu.region"() ({
            %run_scoped3A = tpu.sem_alloc : memref<!tpu.dma_semaphore, #tpu.memory_space<semaphore_mem>>
            %dma_start3A_71 = arith.constant 0 : i32
            %dma_start3A_72 = tpu.memref_slice %arg8[%scan3A_26, %dma_start3A_71] : memref<16x128xi32, #tpu.memory_space<vmem>> -> memref<1x128xi32, #tpu.memory_space<vmem>>
            %dma_start3A_73 = tpu.memref_squeeze %dma_start3A_72 : memref<1x128xi32, #tpu.memory_space<vmem>> -> memref<128xi32, #tpu.memory_space<vmem>>
            %dma_start3A_74 = arith.constant 0 : i32
            %dma_start3A_75 = arith.constant 0 : i32
            %dma_start3A_76 = tpu.memref_slice %arg11[%dma_start3A_74, %dma_start3A_75] : memref<10240x128xf32, #tpu.memory_space<vmem_shared>> -> memref<10240x128xf32, #tpu.memory_space<vmem_shared>>
            tpu.enqueue_indirect_dma source(%arg9 : memref<128x128xf32, #tpu.memory_space<vmem>>) target(%dma_start3A_76 : memref<10240x128xf32, #tpu.memory_space<vmem_shared>>) offsets(%dma_start3A_73 : memref<128xi32, #tpu.memory_space<vmem>>) semaphore(%run_scoped3A : memref<!tpu.dma_semaphore, #tpu.memory_space<semaphore_mem>>) {add = true}
            %dma_wait3A_77 = arith.constant 0 : i32
            %dma_wait3A_78 = tpu.memref_slice %arg8[%scan3A_26, %dma_wait3A_77] : memref<16x128xi32, #tpu.memory_space<vmem>> -> memref<1x128xi32, #tpu.memory_space<vmem>>
            %dma_wait3A_79 = tpu.memref_squeeze %dma_wait3A_78 : memref<1x128xi32, #tpu.memory_space<vmem>> -> memref<128xi32, #tpu.memory_space<vmem>>
            %dma_wait3A_80 = arith.constant 0 : i32
            %dma_wait3A_81 = arith.constant 0 : i32
            %dma_wait3A_82 = tpu.memref_slice %arg11[%dma_wait3A_80, %dma_wait3A_81] : memref<10240x128xf32, #tpu.memory_space<vmem_shared>> -> memref<10240x128xf32, #tpu.memory_space<vmem_shared>>
            tpu.wait_indirect_dma semaphore(%run_scoped3A : memref<!tpu.dma_semaphore, #tpu.memory_space<semaphore_mem>>) src(%arg9 : memref<128x128xf32, #tpu.memory_space<vmem>>) dst(%dma_wait3A_82 : memref<10240x128xf32, #tpu.memory_space<vmem_shared>>)
            tpu.yield
          }) : () -> ()
        } else {
        }
        %jit3A_38 = arith.constant 2 : i32
        %eq3A_39 = arith.constant 0 : i32
        %eq3A_40 = arith.cmpi eq, %jit3A_38, %eq3A_39 : i32
        %jit3A_41 = arith.constant 1 : i32
        %select_n3A_42 = arith.select %eq3A_40, %jit3A_41, %jit3A_38 : i32
        %rem3A_43 = arith.remsi %scan3A_26, %select_n3A_42 : i32
        %ne3A_44 = arith.constant 0 : i32
        %ne3A_45 = arith.cmpi ne, %rem3A_43, %ne3A_44 : i32
        %lt3A_46 = arith.constant 0 : i32
        %lt3A_47 = arith.cmpi slt, %rem3A_43, %lt3A_46 : i32
        %lt3A_48 = arith.constant 0 : i32
        %lt3A_49 = arith.cmpi slt, %select_n3A_42, %lt3A_48 : i32
        %ne3A_50 = arith.xori %lt3A_47, %lt3A_49 : i1
        %and3A_51 = arith.andi %ne3A_50, %ne3A_45 : i1
        %add3A_52 = arith.addi %rem3A_43, %select_n3A_42 : i32
        %select_n3A_53 = arith.select %and3A_51, %add3A_52, %rem3A_43 : i32
        %eq3A_54 = arith.constant 1 : i32
        %eq3A_55 = arith.cmpi eq, %select_n3A_53, %eq3A_54 : i32
        %convert_element_type3A_56 = arith.extui %eq3A_55 : i1 to i32
        %cond3A_57 = arith.constant 0 : i32
        %cond3A_58 = arith.cmpi ne, %convert_element_type3A_56, %cond3A_57 : i32
        scf.if %cond3A_58 {
          %dma_wait3A = arith.constant 0 : i32
          %dma_wait3A_59 = tpu.memref_slice %arg7[%scan3A_26, %dma_wait3A] : memref<16x128xi32, #tpu.memory_space<vmem>> -> memref<1x128xi32, #tpu.memory_space<vmem>>
          %dma_wait3A_60 = tpu.memref_squeeze %dma_wait3A_59 : memref<1x128xi32, #tpu.memory_space<vmem>> -> memref<128xi32, #tpu.memory_space<vmem>>
          %dma_wait3A_61 = arith.constant 0 : i32
          %dma_wait3A_62 = arith.constant 0 : i32
          %dma_wait3A_63 = tpu.memref_slice %arg2[%dma_wait3A_61, %dma_wait3A_62] : memref<20000x128xf32, #tpu.memory_space<hbm>> -> memref<20000x128xf32, #tpu.memory_space<hbm>>
          tpu.wait_indirect_dma semaphore(%arg13 : memref<!tpu.dma_semaphore, #tpu.memory_space<semaphore_mem>>) src(%dma_wait3A_63 : memref<20000x128xf32, #tpu.memory_space<hbm>>) dst(%arg10 : memref<128x128xf32, #tpu.memory_space<vmem>>)
          %add3A_64 = arith.constant 1 : i32
          %add3A_65 = arith.addi %scan3A_26, %add3A_64 : i32
          %lt3A_66 = arith.constant 16 : i32
          %lt3A_67 = arith.cmpi slt, %add3A_65, %lt3A_66 : i32
          %convert_element_type3A_68 = arith.extui %lt3A_67 : i1 to i32
          %cond3A_69 = arith.constant 0 : i32
          %cond3A_70 = arith.cmpi ne, %convert_element_type3A_68, %cond3A_69 : i32
          scf.if %cond3A_70 {
            %add3A_71 = arith.constant 1 : i32
            %add3A_72 = arith.addi %scan3A_26, %add3A_71 : i32
            %dma_start3A_73 = arith.constant 0 : i32
            %dma_start3A_74 = tpu.memref_slice %arg7[%add3A_72, %dma_start3A_73] : memref<16x128xi32, #tpu.memory_space<vmem>> -> memref<1x128xi32, #tpu.memory_space<vmem>>
            %dma_start3A_75 = tpu.memref_squeeze %dma_start3A_74 : memref<1x128xi32, #tpu.memory_space<vmem>> -> memref<128xi32, #tpu.memory_space<vmem>>
            %dma_start3A_76 = arith.constant 0 : i32
            %dma_start3A_77 = arith.constant 0 : i32
            %dma_start3A_78 = tpu.memref_slice %arg2[%dma_start3A_76, %dma_start3A_77] : memref<20000x128xf32, #tpu.memory_space<hbm>> -> memref<20000x128xf32, #tpu.memory_space<hbm>>
            tpu.enqueue_indirect_dma source(%dma_start3A_78 : memref<20000x128xf32, #tpu.memory_space<hbm>>) target(%arg9 : memref<128x128xf32, #tpu.memory_space<vmem>>) offsets(%dma_start3A_75 : memref<128xi32, #tpu.memory_space<vmem>>) semaphore(%arg12 : memref<!tpu.dma_semaphore, #tpu.memory_space<semaphore_mem>>)
          } else {
          }
          "tpu.region"() ({
            %run_scoped3A = tpu.sem_alloc : memref<!tpu.dma_semaphore, #tpu.memory_space<semaphore_mem>>
            %dma_start3A_71 = arith.constant 0 : i32
            %dma_start3A_72 = tpu.memref_slice %arg8[%scan3A_26, %dma_start3A_71] : memref<16x128xi32, #tpu.memory_space<vmem>> -> memref<1x128xi32, #tpu.memory_space<vmem>>
            %dma_start3A_73 = tpu.memref_squeeze %dma_start3A_72 : memref<1x128xi32, #tpu.memory_space<vmem>> -> memref<128xi32, #tpu.memory_space<vmem>>
            %dma_start3A_74 = arith.constant 0 : i32
            %dma_start3A_75 = arith.constant 0 : i32
            %dma_start3A_76 = tpu.memref_slice %arg11[%dma_start3A_74, %dma_start3A_75] : memref<10240x128xf32, #tpu.memory_space<vmem_shared>> -> memref<10240x128xf32, #tpu.memory_space<vmem_shared>>
            tpu.enqueue_indirect_dma source(%arg10 : memref<128x128xf32, #tpu.memory_space<vmem>>) target(%dma_start3A_76 : memref<10240x128xf32, #tpu.memory_space<vmem_shared>>) offsets(%dma_start3A_73 : memref<128xi32, #tpu.memory_space<vmem>>) semaphore(%run_scoped3A : memref<!tpu.dma_semaphore, #tpu.memory_space<semaphore_mem>>) {add = true}
            %dma_wait3A_77 = arith.constant 0 : i32
            %dma_wait3A_78 = tpu.memref_slice %arg8[%scan3A_26, %dma_wait3A_77] : memref<16x128xi32, #tpu.memory_space<vmem>> -> memref<1x128xi32, #tpu.memory_space<vmem>>
            %dma_wait3A_79 = tpu.memref_squeeze %dma_wait3A_78 : memref<1x128xi32, #tpu.memory_space<vmem>> -> memref<128xi32, #tpu.memory_space<vmem>>
            %dma_wait3A_80 = arith.constant 0 : i32
            %dma_wait3A_81 = arith.constant 0 : i32
            %dma_wait3A_82 = tpu.memref_slice %arg11[%dma_wait3A_80, %dma_wait3A_81] : memref<10240x128xf32, #tpu.memory_space<vmem_shared>> -> memref<10240x128xf32, #tpu.memory_space<vmem_shared>>
            tpu.wait_indirect_dma semaphore(%run_scoped3A : memref<!tpu.dma_semaphore, #tpu.memory_space<semaphore_mem>>) src(%arg10 : memref<128x128xf32, #tpu.memory_space<vmem>>) dst(%dma_wait3A_82 : memref<10240x128xf32, #tpu.memory_space<vmem_shared>>)
            tpu.yield
          }) : () -> ()
        } else {
        }
      }
      %scan3A_25 = arith.constant 16 : i32
    }
    %scan3A_5 = arith.constant 10 : i32
    %barrier3A_6 = arith.constant 0 : index
    tpu.barrier barrier_id(%barrier3A_6)
    %mul3A_7 = arith.constant 128 : i32
    %mul3A_8 = arith.muli %arg0, %mul3A_7 : i32
    "tpu.region"() ({
      %run_scoped3A = tpu.sem_alloc : memref<!tpu.dma_semaphore, #tpu.memory_space<semaphore_mem>>
      %dma_start3A = tpu.memref_slice %arg6[%mul3A_0, %mul3A_8] : memref<10240x256xf32, #tpu.memory_space<hbm>> -> memref<640x128xf32, #tpu.memory_space<hbm>>
      %dma_start3A_9 = arith.constant 0 : i32
      %dma_start3A_10 = tpu.memref_slice %arg11[%mul3A_0, %dma_start3A_9] : memref<10240x128xf32, #tpu.memory_space<vmem_shared>> -> memref<640x128xf32, #tpu.memory_space<vmem_shared>>
      tpu.enqueue_dma source(%dma_start3A_10 : memref<640x128xf32, #tpu.memory_space<vmem_shared>>) target(%dma_start3A : memref<640x128xf32, #tpu.memory_space<hbm>>) target_semaphore(%run_scoped3A : memref<!tpu.dma_semaphore, #tpu.memory_space<semaphore_mem>>)
      %dma_wait3A = tpu.memref_slice %arg6[%mul3A_0, %mul3A_8] : memref<10240x256xf32, #tpu.memory_space<hbm>> -> memref<640x128xf32, #tpu.memory_space<hbm>>
      %dma_wait3A_11 = arith.constant 0 : i32
      %dma_wait3A_12 = tpu.memref_slice %arg11[%mul3A_0, %dma_wait3A_11] : memref<10240x128xf32, #tpu.memory_space<vmem_shared>> -> memref<640x128xf32, #tpu.memory_space<vmem_shared>>
      tpu.wait_dma2 semaphore(%run_scoped3A : memref<!tpu.dma_semaphore, #tpu.memory_space<semaphore_mem>>) src(%dma_wait3A_12 : memref<640x128xf32, #tpu.memory_space<vmem_shared>>) dst(%dma_wait3A : memref<640x128xf32, #tpu.memory_space<hbm>>)
      tpu.yield
    }) : () -> ()
    return
  }
}

module attributes {stable_mosaic.version = 14 : i64} {
  func.func @_tc1_body(%arg0: i32, %arg1: memref<400x128xf32, #tpu.memory_space<vmem>>, %arg2: memref<128x256xf32, #tpu.memory_space<vmem>>, %arg3: memref<400x2xf32, #tpu.memory_space<vmem>>, %arg4: memref<400x256xf32, #tpu.memory_space<vmem>>) attributes {dimension_semantics = [#tpu.dimension_semantics<arbitrary>], iteration_bounds = array<i64: 25>, scalar_prefetch = 0 : i64, scratch_operands = 0 : i64, tpu.core_type = #tpu.core_type<tc>, window_params = [{transform_indices = @transform_0, window_bounds = array<i64: 400, 128>}, {pipeline_mode = #tpu.pipeline_mode<synchronous>, transform_indices = @transform_1, window_bounds = array<i64: 128, 256>}, {transform_indices = @transform_2, window_bounds = array<i64: 400, 2>}, {transform_indices = @transform_3, window_bounds = array<i64: 400, 256>}]} {
    %get3A = arith.constant 0 : index
    %get3A_0 = arith.constant 0 : index
    %get3A_1 = vector.load %arg1[%get3A, %get3A_0] : memref<400x128xf32, #tpu.memory_space<vmem>>, vector<400x128xf32>
    %get3A_2 = arith.constant 0 : index
    %get3A_3 = arith.constant 0 : index
    %get3A_4 = vector.load %arg2[%get3A_2, %get3A_3] : memref<128x256xf32, #tpu.memory_space<vmem>>, vector<128x256xf32>
    %dot_general3A = arith.constant dense<0.000000e+00> : vector<400x256xf32>
    %dot_general3A_5 = tpu.matmul %get3A_1, %get3A_4, %dot_general3A {dimension_numbers = #tpu.dot_dimension_numbers<[1], [0], [0], [1], [0, 0, 1, 1], [], []>, precision = #tpu.contract_precision<fp32>, transpose_lhs_hint = false} : vector<400x128xf32>, vector<128x256xf32>, vector<400x256xf32> -> vector<400x256xf32>
    %get3A_6 = arith.constant 0 : index
    %get3A_7 = arith.constant 0 : index
    %get3A_8 = vector.load %arg3[%get3A_6, %get3A_7] : memref<400x2xf32, #tpu.memory_space<vmem>>, vector<400x2xf32>
    %reduce_sum3A = arith.constant dense<0.000000e+00> : vector<400xf32>
    %reduce_sum3A_9 = vector.multi_reduction <add>, %get3A_8, %reduce_sum3A [1] : vector<400x2xf32> to vector<400xf32>
    %add3A = arith.constant 1.000000e+00 : f32
    %add3A_10 = vector.broadcast %add3A : f32 to vector<400xf32>
    %add3A_11 = arith.addf %reduce_sum3A_9, %add3A_10 : vector<400xf32>
    %rsqrt3A = math.rsqrt %add3A_11 : vector<400xf32>
    %broadcast_in_dim3A = vector.shape_cast %rsqrt3A : vector<400xf32> to vector<400x1xf32>
    %mul3A = vector.broadcast %broadcast_in_dim3A : vector<400x1xf32> to vector<400x256xf32>
    %mul3A_12 = arith.mulf %dot_general3A_5, %mul3A : vector<400x256xf32>
    %swap3A = arith.constant 0 : index
    %swap3A_13 = arith.constant 0 : index
    %swap3A_14 = vector.load %arg4[%swap3A, %swap3A_13] : memref<400x256xf32, #tpu.memory_space<vmem>>, vector<400x256xf32>
    tpu.vector_store %arg4[%swap3A, %swap3A_13], %mul3A_12 {strides = array<i32>} : memref<400x256xf32, #tpu.memory_space<vmem>>, vector<400x256xf32>,
    return
  }
  func.func @transform_0(%arg0: i32) -> (i32, i32) {
    %c0_i32 = arith.constant 0 : i32
    %c0_i32_0 = arith.constant 0 : i32
    return %arg0, %c0_i32 : i32, i32
  }
  func.func @transform_1(%arg0: i32) -> (i32, i32) {
    %c0_i32 = arith.constant 0 : i32
    %c0_i32_0 = arith.constant 0 : i32
    %c0_i32_1 = arith.constant 0 : i32
    return %c0_i32, %c0_i32_0 : i32, i32
  }
  func.func @transform_2(%arg0: i32) -> (i32, i32) {
    %c0_i32 = arith.constant 0 : i32
    %c0_i32_0 = arith.constant 0 : i32
    return %arg0, %c0_i32 : i32, i32
  }
  func.func @transform_3(%arg0: i32) -> (i32, i32) {
    %c0_i32 = arith.constant 0 : i32
    %c0_i32_0 = arith.constant 0 : i32
    return %arg0, %c0_i32 : i32, i32
  }
}

module attributes {stable_mosaic.version = 14 : i64} {
  func.func @_tc2_body(%arg0: i32, %arg1: memref<400x256xf32, #tpu.memory_space<vmem>>, %arg2: memref<400x256xf32, #tpu.memory_space<vmem>>, %arg3: memref<400x2xf32, #tpu.memory_space<vmem>>, %arg4: memref<1x256xf32, #tpu.memory_space<vmem>>, %arg5: memref<1x256xf32, #tpu.memory_space<vmem>>, %arg6: memref<1x256xf32, #tpu.memory_space<vmem>>, %arg7: memref<256x256xf32, #tpu.memory_space<vmem>>, %arg8: memref<400x256xf32, #tpu.memory_space<vmem>>) attributes {dimension_semantics = [#tpu.dimension_semantics<arbitrary>], iteration_bounds = array<i64: 25>, scalar_prefetch = 0 : i64, scratch_operands = 0 : i64, tpu.core_type = #tpu.core_type<tc>, window_params = [{transform_indices = @transform_0, window_bounds = array<i64: 400, 256>}, {transform_indices = @transform_1, window_bounds = array<i64: 400, 256>}, {transform_indices = @transform_2, window_bounds = array<i64: 400, 2>}, {pipeline_mode = #tpu.pipeline_mode<synchronous>, transform_indices = @transform_3, window_bounds = array<i64: 1, 256>}, {pipeline_mode = #tpu.pipeline_mode<synchronous>, transform_indices = @transform_4, window_bounds = array<i64: 1, 256>}, {pipeline_mode = #tpu.pipeline_mode<synchronous>, transform_indices = @transform_5, window_bounds = array<i64: 1, 256>}, {pipeline_mode = #tpu.pipeline_mode<synchronous>, transform_indices = @transform_6, window_bounds = array<i64: 256, 256>}, {transform_indices = @transform_7, window_bounds = array<i64: 400, 256>}]} {
    %get3A = arith.constant 0 : index
    %get3A_0 = arith.constant 0 : index
    %get3A_1 = vector.load %arg3[%get3A, %get3A_0] : memref<400x2xf32, #tpu.memory_space<vmem>>, vector<400x2xf32>
    %reduce_sum3A = arith.constant dense<0.000000e+00> : vector<400xf32>
    %reduce_sum3A_2 = vector.multi_reduction <add>, %get3A_1, %reduce_sum3A [1] : vector<400x2xf32> to vector<400xf32>
    %add3A = arith.constant 1.000000e+00 : f32
    %add3A_3 = vector.broadcast %add3A : f32 to vector<400xf32>
    %add3A_4 = arith.addf %reduce_sum3A_2, %add3A_3 : vector<400xf32>
    %rsqrt3A = math.rsqrt %add3A_4 : vector<400xf32>
    %broadcast_in_dim3A = vector.shape_cast %rsqrt3A : vector<400xf32> to vector<400x1xf32>
    %get3A_5 = arith.constant 0 : index
    %get3A_6 = arith.constant 0 : index
    %get3A_7 = vector.load %arg1[%get3A_5, %get3A_6] : memref<400x256xf32, #tpu.memory_space<vmem>>, vector<400x256xf32>
    %get3A_8 = arith.constant 0 : index
    %get3A_9 = arith.constant 0 : index
    %get3A_10 = vector.load %arg2[%get3A_8, %get3A_9] : memref<400x256xf32, #tpu.memory_space<vmem>>, vector<400x256xf32>
    %add3A_11 = arith.addf %get3A_7, %get3A_10 : vector<400x256xf32>
    %mul3A = vector.broadcast %broadcast_in_dim3A : vector<400x1xf32> to vector<400x256xf32>
    %mul3A_12 = arith.mulf %add3A_11, %mul3A : vector<400x256xf32>
    %get3A_13 = arith.constant 0 : index
    %get3A_14 = arith.constant 0 : index
    %get3A_15 = vector.load %arg4[%get3A_13, %get3A_14] : memref<1x256xf32, #tpu.memory_space<vmem>>, vector<1x256xf32>
    %add3A_16 = vector.broadcast %get3A_15 : vector<1x256xf32> to vector<400x256xf32>
    %add3A_17 = arith.addf %mul3A_12, %add3A_16 : vector<400x256xf32>
    %max3A = arith.constant 0.000000e+00 : f32
    %max3A_18 = vector.broadcast %max3A : f32 to vector<400x256xf32>
    %max3A_19 = arith.maximumf %add3A_17, %max3A_18 : vector<400x256xf32>
    %reduce_sum3A_20 = arith.constant dense<0.000000e+00> : vector<400xf32>
    %reduce_sum3A_21 = vector.multi_reduction <add>, %max3A_19, %reduce_sum3A_20 [1] : vector<400x256xf32> to vector<400xf32>
    %broadcast_in_dim3A_22 = vector.shape_cast %reduce_sum3A_21 : vector<400xf32> to vector<400x1xf32>
    %div3A = arith.constant 2.560000e+02 : f32
    %div3A_23 = vector.broadcast %div3A : f32 to vector<400x1xf32>
    %div3A_24 = arith.divf %broadcast_in_dim3A_22, %div3A_23 : vector<400x1xf32>
    %sub3A = vector.broadcast %div3A_24 : vector<400x1xf32> to vector<400x256xf32>
    %sub3A_25 = arith.subf %max3A_19, %sub3A : vector<400x256xf32>
    %integer_pow3A = arith.mulf %sub3A_25, %sub3A_25 : vector<400x256xf32>
    %reduce_sum3A_26 = arith.constant dense<0.000000e+00> : vector<400xf32>
    %reduce_sum3A_27 = vector.multi_reduction <add>, %integer_pow3A, %reduce_sum3A_26 [1] : vector<400x256xf32> to vector<400xf32>
    %broadcast_in_dim3A_28 = vector.shape_cast %reduce_sum3A_27 : vector<400xf32> to vector<400x1xf32>
    %div3A_29 = arith.constant 2.560000e+02 : f32
    %div3A_30 = vector.broadcast %div3A_29 : f32 to vector<400x1xf32>
    %div3A_31 = arith.divf %broadcast_in_dim3A_28, %div3A_30 : vector<400x1xf32>
    %sub3A_32 = vector.broadcast %div3A_24 : vector<400x1xf32> to vector<400x256xf32>
    %sub3A_33 = arith.subf %max3A_19, %sub3A_32 : vector<400x256xf32>
    %add3A_34 = arith.constant 9.99999974E-6 : f32
    %add3A_35 = vector.broadcast %add3A_34 : f32 to vector<400x1xf32>
    %add3A_36 = arith.addf %div3A_31, %add3A_35 : vector<400x1xf32>
    %rsqrt3A_37 = math.rsqrt %add3A_36 : vector<400x1xf32>
    %mul3A_38 = vector.broadcast %rsqrt3A_37 : vector<400x1xf32> to vector<400x256xf32>
    %mul3A_39 = arith.mulf %sub3A_33, %mul3A_38 : vector<400x256xf32>
    %get3A_40 = arith.constant 0 : index
    %get3A_41 = arith.constant 0 : index
    %get3A_42 = vector.load %arg5[%get3A_40, %get3A_41] : memref<1x256xf32, #tpu.memory_space<vmem>>, vector<1x256xf32>
    %mul3A_43 = vector.broadcast %get3A_42 : vector<1x256xf32> to vector<400x256xf32>
    %mul3A_44 = arith.mulf %mul3A_39, %mul3A_43 : vector<400x256xf32>
    %get3A_45 = arith.constant 0 : index
    %get3A_46 = arith.constant 0 : index
    %get3A_47 = vector.load %arg6[%get3A_45, %get3A_46] : memref<1x256xf32, #tpu.memory_space<vmem>>, vector<1x256xf32>
    %add3A_48 = vector.broadcast %get3A_47 : vector<1x256xf32> to vector<400x256xf32>
    %add3A_49 = arith.addf %mul3A_44, %add3A_48 : vector<400x256xf32>
    %get3A_50 = arith.constant 0 : index
    %get3A_51 = arith.constant 0 : index
    %get3A_52 = vector.load %arg7[%get3A_50, %get3A_51] : memref<256x256xf32, #tpu.memory_space<vmem>>, vector<256x256xf32>
    %dot_general3A = arith.constant dense<0.000000e+00> : vector<400x256xf32>
    %dot_general3A_53 = tpu.matmul %add3A_49, %get3A_52, %dot_general3A {dimension_numbers = #tpu.dot_dimension_numbers<[1], [0], [0], [1], [0, 0, 1, 1], [], []>, precision = #tpu.contract_precision<fp32>, transpose_lhs_hint = false} : vector<400x256xf32>, vector<256x256xf32>, vector<400x256xf32> -> vector<400x256xf32>
    %mul3A_54 = vector.broadcast %broadcast_in_dim3A : vector<400x1xf32> to vector<400x256xf32>
    %mul3A_55 = arith.mulf %dot_general3A_53, %mul3A_54 : vector<400x256xf32>
    %swap3A = arith.constant 0 : index
    %swap3A_56 = arith.constant 0 : index
    %swap3A_57 = vector.load %arg8[%swap3A, %swap3A_56] : memref<400x256xf32, #tpu.memory_space<vmem>>, vector<400x256xf32>
    tpu.vector_store %arg8[%swap3A, %swap3A_56], %mul3A_55 {strides = array<i32>} : memref<400x256xf32, #tpu.memory_space<vmem>>, vector<400x256xf32>,
    return
  }
  func.func @transform_0(%arg0: i32) -> (i32, i32) {
    %c0_i32 = arith.constant 0 : i32
    %c0_i32_0 = arith.constant 0 : i32
    return %arg0, %c0_i32 : i32, i32
  }
  func.func @transform_1(%arg0: i32) -> (i32, i32) {
    %c0_i32 = arith.constant 0 : i32
    %c0_i32_0 = arith.constant 0 : i32
    return %arg0, %c0_i32 : i32, i32
  }
  func.func @transform_2(%arg0: i32) -> (i32, i32) {
    %c0_i32 = arith.constant 0 : i32
    %c0_i32_0 = arith.constant 0 : i32
    return %arg0, %c0_i32 : i32, i32
  }
  func.func @transform_3(%arg0: i32) -> (i32, i32) {
    %c0_i32 = arith.constant 0 : i32
    %c0_i32_0 = arith.constant 0 : i32
    %c0_i32_1 = arith.constant 0 : i32
    return %c0_i32, %c0_i32_0 : i32, i32
  }
  func.func @transform_4(%arg0: i32) -> (i32, i32) {
    %c0_i32 = arith.constant 0 : i32
    %c0_i32_0 = arith.constant 0 : i32
    %c0_i32_1 = arith.constant 0 : i32
    return %c0_i32, %c0_i32_0 : i32, i32
  }
  func.func @transform_5(%arg0: i32) -> (i32, i32) {
    %c0_i32 = arith.constant 0 : i32
    %c0_i32_0 = arith.constant 0 : i32
    %c0_i32_1 = arith.constant 0 : i32
    return %c0_i32, %c0_i32_0 : i32, i32
  }
  func.func @transform_6(%arg0: i32) -> (i32, i32) {
    %c0_i32 = arith.constant 0 : i32
    %c0_i32_0 = arith.constant 0 : i32
    %c0_i32_1 = arith.constant 0 : i32
    return %c0_i32, %c0_i32_0 : i32, i32
  }
  func.func @transform_7(%arg0: i32) -> (i32, i32) {
    %c0_i32 = arith.constant 0 : i32
    %c0_i32_0 = arith.constant 0 : i32
    return %arg0, %c0_i32 : i32, i32
  }
}

module attributes {stable_mosaic.version = 14 : i64} {
  func.func @_tc3_body(%arg0: i32, %arg1: memref<400x256xf32, #tpu.memory_space<vmem>>, %arg2: memref<400x256xf32, #tpu.memory_space<vmem>>, %arg3: memref<400x2xf32, #tpu.memory_space<vmem>>, %arg4: memref<1x256xf32, #tpu.memory_space<vmem>>, %arg5: memref<256x256xf32, #tpu.memory_space<vmem>>, %arg6: memref<1x256xf32, #tpu.memory_space<vmem>>, %arg7: memref<256x64xf32, #tpu.memory_space<vmem>>, %arg8: memref<1x64xf32, #tpu.memory_space<vmem>>, %arg9: memref<400x256xf32, #tpu.memory_space<vmem>>, %arg10: memref<400x64xf32, #tpu.memory_space<vmem>>) attributes {dimension_semantics = [#tpu.dimension_semantics<arbitrary>], iteration_bounds = array<i64: 25>, scalar_prefetch = 0 : i64, scratch_operands = 0 : i64, tpu.core_type = #tpu.core_type<tc>, window_params = [{transform_indices = @transform_0, window_bounds = array<i64: 400, 256>}, {transform_indices = @transform_1, window_bounds = array<i64: 400, 256>}, {transform_indices = @transform_2, window_bounds = array<i64: 400, 2>}, {pipeline_mode = #tpu.pipeline_mode<synchronous>, transform_indices = @transform_3, window_bounds = array<i64: 1, 256>}, {pipeline_mode = #tpu.pipeline_mode<synchronous>, transform_indices = @transform_4, window_bounds = array<i64: 256, 256>}, {pipeline_mode = #tpu.pipeline_mode<synchronous>, transform_indices = @transform_5, window_bounds = array<i64: 1, 256>}, {pipeline_mode = #tpu.pipeline_mode<synchronous>, transform_indices = @transform_6, window_bounds = array<i64: 256, 64>}, {pipeline_mode = #tpu.pipeline_mode<synchronous>, transform_indices = @transform_7, window_bounds = array<i64: 1, 64>}, {transform_indices = @transform_8, window_bounds = array<i64: 400, 256>}, {transform_indices = @transform_9, window_bounds = array<i64: 400, 64>}]} {
    %get3A = arith.constant 0 : index
    %get3A_0 = arith.constant 0 : index
    %get3A_1 = vector.load %arg3[%get3A, %get3A_0] : memref<400x2xf32, #tpu.memory_space<vmem>>, vector<400x2xf32>
    %reduce_sum3A = arith.constant dense<0.000000e+00> : vector<400xf32>
    %reduce_sum3A_2 = vector.multi_reduction <add>, %get3A_1, %reduce_sum3A [1] : vector<400x2xf32> to vector<400xf32>
    %add3A = arith.constant 1.000000e+00 : f32
    %add3A_3 = vector.broadcast %add3A : f32 to vector<400xf32>
    %add3A_4 = arith.addf %reduce_sum3A_2, %add3A_3 : vector<400xf32>
    %rsqrt3A = math.rsqrt %add3A_4 : vector<400xf32>
    %broadcast_in_dim3A = vector.shape_cast %rsqrt3A : vector<400xf32> to vector<400x1xf32>
    %get3A_5 = arith.constant 0 : index
    %get3A_6 = arith.constant 0 : index
    %get3A_7 = vector.load %arg1[%get3A_5, %get3A_6] : memref<400x256xf32, #tpu.memory_space<vmem>>, vector<400x256xf32>
    %get3A_8 = arith.constant 0 : index
    %get3A_9 = arith.constant 0 : index
    %get3A_10 = vector.load %arg2[%get3A_8, %get3A_9] : memref<400x256xf32, #tpu.memory_space<vmem>>, vector<400x256xf32>
    %add3A_11 = arith.addf %get3A_7, %get3A_10 : vector<400x256xf32>
    %mul3A = vector.broadcast %broadcast_in_dim3A : vector<400x1xf32> to vector<400x256xf32>
    %mul3A_12 = arith.mulf %add3A_11, %mul3A : vector<400x256xf32>
    %get3A_13 = arith.constant 0 : index
    %get3A_14 = arith.constant 0 : index
    %get3A_15 = vector.load %arg4[%get3A_13, %get3A_14] : memref<1x256xf32, #tpu.memory_space<vmem>>, vector<1x256xf32>
    %add3A_16 = vector.broadcast %get3A_15 : vector<1x256xf32> to vector<400x256xf32>
    %add3A_17 = arith.addf %mul3A_12, %add3A_16 : vector<400x256xf32>
    %swap3A = arith.constant 0 : index
    %swap3A_18 = arith.constant 0 : index
    %swap3A_19 = vector.load %arg9[%swap3A, %swap3A_18] : memref<400x256xf32, #tpu.memory_space<vmem>>, vector<400x256xf32>
    tpu.vector_store %arg9[%swap3A, %swap3A_18], %add3A_17 {strides = array<i32>} : memref<400x256xf32, #tpu.memory_space<vmem>>, vector<400x256xf32>,
    %max3A = arith.constant 0.000000e+00 : f32
    %max3A_20 = vector.broadcast %max3A : f32 to vector<400x256xf32>
    %max3A_21 = arith.maximumf %add3A_17, %max3A_20 : vector<400x256xf32>
    %get3A_22 = arith.constant 0 : index
    %get3A_23 = arith.constant 0 : index
    %get3A_24 = vector.load %arg5[%get3A_22, %get3A_23] : memref<256x256xf32, #tpu.memory_space<vmem>>, vector<256x256xf32>
    %dot_general3A = arith.constant dense<0.000000e+00> : vector<400x256xf32>
    %dot_general3A_25 = tpu.matmul %max3A_21, %get3A_24, %dot_general3A {dimension_numbers = #tpu.dot_dimension_numbers<[1], [0], [0], [1], [0, 0, 1, 1], [], []>, precision = #tpu.contract_precision<fp32>, transpose_lhs_hint = false} : vector<400x256xf32>, vector<256x256xf32>, vector<400x256xf32> -> vector<400x256xf32>
    %get3A_26 = arith.constant 0 : index
    %get3A_27 = arith.constant 0 : index
    %get3A_28 = vector.load %arg6[%get3A_26, %get3A_27] : memref<1x256xf32, #tpu.memory_space<vmem>>, vector<1x256xf32>
    %add3A_29 = vector.broadcast %get3A_28 : vector<1x256xf32> to vector<400x256xf32>
    %add3A_30 = arith.addf %dot_general3A_25, %add3A_29 : vector<400x256xf32>
    %get3A_31 = arith.constant 0 : index
    %get3A_32 = arith.constant 0 : index
    %get3A_33 = vector.load %arg7[%get3A_31, %get3A_32] : memref<256x64xf32, #tpu.memory_space<vmem>>, vector<256x64xf32>
    %dot_general3A_34 = arith.constant dense<0.000000e+00> : vector<400x64xf32>
    %dot_general3A_35 = tpu.matmul %add3A_30, %get3A_33, %dot_general3A_34 {dimension_numbers = #tpu.dot_dimension_numbers<[1], [0], [0], [1], [0, 0, 1, 1], [], []>, precision = #tpu.contract_precision<fp32>, transpose_lhs_hint = false} : vector<400x256xf32>, vector<256x64xf32>, vector<400x64xf32> -> vector<400x64xf32>
    %get3A_36 = arith.constant 0 : index
    %get3A_37 = arith.constant 0 : index
    %get3A_38 = vector.load %arg8[%get3A_36, %get3A_37] : memref<1x64xf32, #tpu.memory_space<vmem>>, vector<1x64xf32>
    %add3A_39 = vector.broadcast %get3A_38 : vector<1x64xf32> to vector<400x64xf32>
    %add3A_40 = arith.addf %dot_general3A_35, %add3A_39 : vector<400x64xf32>
    %reduce_max3A = arith.constant dense<0xFF800000> : vector<400xf32>
    %reduce_max3A_41 = vector.multi_reduction <maximumf>, %add3A_40, %reduce_max3A [1] : vector<400x64xf32> to vector<400xf32>
    %broadcast_in_dim3A_42 = vector.shape_cast %reduce_max3A_41 : vector<400xf32> to vector<400x1xf32>
    %sub3A = vector.broadcast %broadcast_in_dim3A_42 : vector<400x1xf32> to vector<400x64xf32>
    %sub3A_43 = arith.subf %add3A_40, %sub3A : vector<400x64xf32>
    %exp3A = math.exp %sub3A_43 : vector<400x64xf32>
    %reduce_sum3A_44 = arith.constant dense<0.000000e+00> : vector<400xf32>
    %reduce_sum3A_45 = vector.multi_reduction <add>, %exp3A, %reduce_sum3A_44 [1] : vector<400x64xf32> to vector<400xf32>
    %broadcast_in_dim3A_46 = vector.shape_cast %reduce_sum3A_45 : vector<400xf32> to vector<400x1xf32>
    %log3A = math.log %broadcast_in_dim3A_46 : vector<400x1xf32>
    %add3A_47 = arith.addf %log3A, %broadcast_in_dim3A_42 : vector<400x1xf32>
    %sub3A_48 = vector.broadcast %add3A_47 : vector<400x1xf32> to vector<400x64xf32>
    %sub3A_49 = arith.subf %add3A_40, %sub3A_48 : vector<400x64xf32>
    %swap3A_50 = arith.constant 0 : index
    %swap3A_51 = arith.constant 0 : index
    %swap3A_52 = vector.load %arg10[%swap3A_50, %swap3A_51] : memref<400x64xf32, #tpu.memory_space<vmem>>, vector<400x64xf32>
    tpu.vector_store %arg10[%swap3A_50, %swap3A_51], %sub3A_49 {strides = array<i32>} : memref<400x64xf32, #tpu.memory_space<vmem>>, vector<400x64xf32>,
    return
  }
  func.func @transform_0(%arg0: i32) -> (i32, i32) {
    %c0_i32 = arith.constant 0 : i32
    %c0_i32_0 = arith.constant 0 : i32
    return %arg0, %c0_i32 : i32, i32
  }
  func.func @transform_1(%arg0: i32) -> (i32, i32) {
    %c0_i32 = arith.constant 0 : i32
    %c0_i32_0 = arith.constant 0 : i32
    return %arg0, %c0_i32 : i32, i32
  }
  func.func @transform_2(%arg0: i32) -> (i32, i32) {
    %c0_i32 = arith.constant 0 : i32
    %c0_i32_0 = arith.constant 0 : i32
    return %arg0, %c0_i32 : i32, i32
  }
  func.func @transform_3(%arg0: i32) -> (i32, i32) {
    %c0_i32 = arith.constant 0 : i32
    %c0_i32_0 = arith.constant 0 : i32
    %c0_i32_1 = arith.constant 0 : i32
    return %c0_i32, %c0_i32_0 : i32, i32
  }
  func.func @transform_4(%arg0: i32) -> (i32, i32) {
    %c0_i32 = arith.constant 0 : i32
    %c0_i32_0 = arith.constant 0 : i32
    %c0_i32_1 = arith.constant 0 : i32
    return %c0_i32, %c0_i32_0 : i32, i32
  }
  func.func @transform_5(%arg0: i32) -> (i32, i32) {
    %c0_i32 = arith.constant 0 : i32
    %c0_i32_0 = arith.constant 0 : i32
    %c0_i32_1 = arith.constant 0 : i32
    return %c0_i32, %c0_i32_0 : i32, i32
  }
  func.func @transform_6(%arg0: i32) -> (i32, i32) {
    %c0_i32 = arith.constant 0 : i32
    %c0_i32_0 = arith.constant 0 : i32
    %c0_i32_1 = arith.constant 0 : i32
    return %c0_i32, %c0_i32_0 : i32, i32
  }
  func.func @transform_7(%arg0: i32) -> (i32, i32) {
    %c0_i32 = arith.constant 0 : i32
    %c0_i32_0 = arith.constant 0 : i32
    %c0_i32_1 = arith.constant 0 : i32
    return %c0_i32, %c0_i32_0 : i32, i32
  }
  func.func @transform_8(%arg0: i32) -> (i32, i32) {
    %c0_i32 = arith.constant 0 : i32
    %c0_i32_0 = arith.constant 0 : i32
    return %arg0, %c0_i32 : i32, i32
  }
  func.func @transform_9(%arg0: i32) -> (i32, i32) {
    %c0_i32 = arith.constant 0 : i32
    %c0_i32_0 = arith.constant 0 : i32
    return %arg0, %c0_i32 : i32, i32
  }
}

</mosaic_0001>

<sc_bundles>
// kernel: kernel.11.cloned.1.call-start
scs
__scs_entry_jumppad:
0x0: {  	(pc) =	sbr.rel $0x88, $3  }
0x1: {  	(tag) =	ssettag $0x0;
	lr =	simm.s32 $0x1  }
0x2: {  	[smem:$0x3F95] =	sst lr;
	_ =	strace $0xD0000000  }
0x3: {  	_ = 	snop  }
0x4: {  	_ = 	snop  }
0x5: {  	_ = 	snop  }
0x6: {  	_ = 	snop  }
0x7: {  	_ = 	snop  }
__scs_overlays_trampoline_lowered:
0x8: {  	[smem:$0x3FA4] =	sst s0  }
0x9: {  	[smem:$0x3FA5] =	sst s1  }
0xa: {  	[smem:$0x3FA6] =	sst s2  }
0xb: {  	[smem:$0x3FA7] =	sst s3  }
0xc: {  	[smem:$0x3FA8] =	sst s4  }
0xd: {  	[smem:$0x3FA9] =	sst s5  }
0xe: {  	[smem:$0x3FAA] =	sst s6  }
0xf: {  	[smem:$0x3FAB] =	sst s7  }
0x10: {  	[smem:$0x3FAC] =	sst s8  }
0x11: {  	[smem:$0x3FAD] =	sst s9;
	s0 =	simm.s32 @!p0 $0x0  }
0x12: {  	s1 =	sld [smem:$0x3F93];
	s0 =	simm.s32 @p0 $0x1  }
0x13: {  	[smem:$0x3FAE] =	sst s0;
	s0 =	simm.s32 @!p1 $0x0  }
0x14: {  	s2 =	sld [smem:$0x3F92];
	s0 =	simm.s32 @p1 $0x1  }
0x15: {  	[smem:$0x3FAF] =	sst s0;
	s0 =	simm.s32 @!p2 $0x0  }
0x16: {  	s3 =	sld [smem:$0x3FDB];
	s0 =	simm.s32 @p2 $0x1  }
0x17: {  	s4 =	simm.s32 $0x1BF5;
	[smem:$0x3FB1] =	sst s0  }
0x18: {  	s0 =	sld [smem:$0x3F94];
	_ =	swait.ge [sflag:s4], $0x0  }
0x19: {  	s7 =	sld [smem:$0x3F95]  }
0x1a: {  	s8 =	sadd.s32 $0xFFFFE003, lr  }
0x1b: {  	s9 =	sadd.s32 $0xFFFFFEF7, lr;
	s5 =	simm.s32 $0xFFFFFFFF;
	p2 =	slt.u32 s8, $0xFFFFF086  }
0x1c: {  	p1 =	slt.u32 s9, $0xF7A;
	s5 =	simm.s32 @!p2 $0x0  }
0x1d: {  	s5 =	simm.s32 @p1 $0x1;
	p0 =	seq.s32 s7, s2  }
0x1e: {  	s7 =	smul.u32 @!p0 $0xF7A, s2;
	p2 =	seq.s32 @!p0 s5, $0x0  }
0x1f: {  	s9 =	smul.u32 $0xF7A, s1;
	s8 =	simm.s32 @!p0 $0x1BF5;
	p2 =	por !p2, p0  }
0x20: {  	[sflag:s8] =	ssyncset.s32 @!p0 $0xFFFFF086;
	s6 =	sadd.s32 @!p0 s3, s7;
	s7 =	simm.s32 @!p0 $0x108  }
0x21: {  	s3 =	sadd.s32 s3, s9;
	s6 =	sadd.s32 @!p0 $0x88, s6;
	s7 =	simm.s32 @p2 $0x1082  }
0x22: {  	[simem:s7], [sflag:s8] =	dma.local @!p0 [hbm:s6], $0xF7A  }
0x23: {  	s9 =	sor.u32 $0xD0000000, s2;
	s6 =	simm.s32 $0x108;
	_ =	swait.ge @!p0 [sflag:s8], $0x0  }
0x24: {  	s3 =	sadd.s32 $0x88, s3;
	s6 =	simm.s32 @!p1 $0x1082;
	[sflag:s4] =	ssyncset.s32 $0xFFFFF086  }
0x25: {  	[simem:s6], [sflag:s4] =	dma.local [hbm:s3], $0xF7A  }
0x26: {  	[smem:$0x3F95] =	sst s1;
	(tag) =	ssettag s2;
	_ =	strace s9  }
0x27: {  	s1 =	sld [smem:$0x3FA5]  }
0x28: {  	s2 =	sld [smem:$0x3FA6]  }
0x29: {  	s4 =	sld [smem:$0x3FA8]  }
0x2a: {  	p0 =	seq.s32 s5, $0x0;
	s5 =	sld [smem:$0x3FA9]  }
0x2b: {  	s6 =	sld [smem:$0x3FAA]  }
0x2c: {  	s7 =	sld [smem:$0x3FAB]  }
0x2d: {  	s3 =	simm.s32 $0x108;
	s8 =	sld [smem:$0x3FAC]  }
0x2e: {  	s3 =	simm.s32 @!p0 $0x1082;
	s9 =	sld [smem:$0x3FAD]  }
0x2f: {  	lr =	sadd.s32 s0, s3;
	s0 =	sld [smem:$0x3FA4]  }
0x30: {  	s3 =	sld [smem:$0x3FA7]  }
0x31: {  	[smem:$0x3FB0] =	sst s10  }
0x32: {  	s10 =	sld [smem:$0x3FAE];
	_ =	sdelay $0x3  }
0x33: {  	p0 =	seq.s32 s10, $0x1;
	s10 =	sld [smem:$0x3FB0];
	_ =	sdelay $0x3  }
0x34: {  	[smem:$0x3FB0] =	sst s10  }
0x35: {  	s10 =	sld [smem:$0x3FAF];
	_ =	sdelay $0x3  }
0x36: {  	p1 =	seq.s32 s10, $0x1;
	s10 =	sld [smem:$0x3FB0];
	_ =	sdelay $0x3  }
0x37: {  	[smem:$0x3FB0] =	sst s10  }
0x38: {  	s10 =	sld [smem:$0x3FB1]  }
0x39: {  	_ = 	snop;
	(pc) =	sbr.ind lr, $3  }
0x3a: {  	_ = 	snop  }
0x3b: {  	_ = 	snop  }
0x3c: {  	p2 =	seq.s32 s10, $0x1;
	s10 =	sld [smem:$0x3FB0]  }
0x3d: {  	_ =	shalt  }
0x3e: {  	_ =	shalt  }
0x3f: {  	_ =	shalt  }
0x40: {  	_ =	shalt  }
0x41: {  	_ =	shalt  }
0x42: {  	_ =	shalt  }
0x43: {  	_ =	shalt  }
0x44: {  	_ =	shalt  }
0x45: {  	_ =	shalt  }
0x46: {  	_ =	shalt  }
0x47: {  	_ =	shalt  }
0x48: {  	_ =	shalt  }
0x49: {  	_ =	shalt  }
0x4a: {  	_ =	shalt  }
0x4b: {  	_ =	shalt  }
0x4c: {  	_ =	shalt  }
0x4d: {  	_ =	shalt  }
0x4e: {  	_ =	shalt  }
0x4f: {  	_ =	shalt  }
0x50: {  	_ =	shalt  }
0x51: {  	_ =	shalt  }
0x52: {  	_ =	shalt  }
0x53: {  	_ =	shalt  }
0x54: {  	_ =	shalt  }
0x55: {  	_ =	shalt  }
0x56: {  	_ =	shalt  }
0x57: {  	_ =	shalt  }
0x58: {  	_ =	shalt  }
0x59: {  	_ =	shalt  }
0x5a: {  	_ =	shalt  }
0x5b: {  	_ =	shalt  }
0x5c: {  	_ =	shalt  }
0x5d: {  	_ =	shalt  }
0x5e: {  	_ =	shalt  }
0x5f: {  	_ =	shalt  }
0x60: {  	_ =	shalt  }
0x61: {  	_ =	shalt  }
0x62: {  	_ =	shalt  }
0x63: {  	_ =	shalt  }
0x64: {  	_ =	shalt  }
0x65: {  	_ =	shalt  }
0x66: {  	_ =	shalt  }
0x67: {  	_ =	shalt  }
0x68: {  	_ =	shalt  }
0x69: {  	_ =	shalt  }
0x6a: {  	_ =	shalt  }
0x6b: {  	_ =	shalt  }
0x6c: {  	_ =	shalt  }
0x6d: {  	_ =	shalt  }
0x6e: {  	_ =	shalt  }
0x6f: {  	_ =	shalt  }
0x70: {  	_ =	shalt  }
0x71: {  	_ =	shalt  }
0x72: {  	_ =	shalt  }
0x73: {  	_ =	shalt  }
0x74: {  	_ =	shalt  }
0x75: {  	_ =	shalt  }
0x76: {  	_ =	shalt  }
0x77: {  	_ =	shalt  }
0x78: {  	_ =	shalt  }
0x79: {  	_ =	shalt  }
0x7a: {  	_ =	shalt  }
0x7b: {  	_ =	shalt  }
0x7c: {  	_ =	shalt  }
0x7d: {  	_ =	shalt  }
0x7e: {  	_ =	shalt  }
0x7f: {  	_ =	shalt  }
0x80: {  	_ =	shalt  }
0x81: {  	_ =	shalt  }
0x82: {  	_ =	shalt  }
0x83: {  	_ =	shalt  }
0x84: {  	_ =	shalt  }
0x85: {  	_ =	shalt  }
0x86: {  	_ =	shalt  }
0x87: {  	_ =	shalt  }
.Lfunc_end0:
.L_simem_size_0:
called_computation.1_lowered:
.L_overlay_start_0:
0x88: {  	s2 =	sld [smem:$0x3FD9]  }
0x89: {  	s3 =	sld [smem:$0x3FFE];
	_ =	sdelay $0x1  }
0x8a: {  	s1 =	srdreg.scid  }
0x8b: {  	s0 =	sand.u32 $0x1, s1  }
0x8c: {  	s14 =	sshll.u32 s0, $0xA;
	s2 =	sadd.s32 s3, s2  }
0x8d: {  	s2 =	sadd.s32 s2, s14  }
0x8e: {  	[smem:$0x3FBC] =	sst s2  }
0x8f: {  	_ = 	snop  }
0x90: {  	s2 =	sld [smem:$0x3FD0];
	_ =	sdelay $0x2  }
0x91: {  	s15 =	simm.s32 $0xA;
	s4 =	simm.s32 $0x10  }
0x92: {  	[smem:s4], [sflag:s15] =	dma.local [hbm:s2], $0x1  }
0x93: {  	_ =	swait.eq [sflag:s15], $0x1  }
0x94: {  	[sflag:s15] =	ssyncset.done $0x0  }
0x95: {  	s16 =	sld [smem:$0x10];
	[sflag:s15] =	ssyncadd.s32 $0xFFFFFFFF  }
0x96: {  	s17 =	sld [smem:$0x11];
	(tm) =	ssettm $0x1  }
0x97: {  	s18 =	sld [smem:$0x3FFB];
	_ =	sdelay $0x3  }
0x98: {  	_ =	strace s18  }
0x99: {  	s4 =	sld [smem:$0x3FFC];
	_ =	sdelay $0x3  }
0x9a: {  	_ =	strace s4  }
0x9b: {  	s4 =	sld [smem:$0x3FFD];
	_ =	sdelay $0x3  }
0x9c: {  	_ =	strace s4  }
0x9d: {  	_ =	strace $0x8FFFFFFF  }
0x9e: {  	s19 =	sld [smem:$0x3FDB];
	_ =	sdelay $0x1  }
0x9f: {  	s5 =	simm.s32 $_scs_section_size  }
0xa0: {  	s6 =	simm.s32 $_size__tile_overlayer_lowered;
	s7 =	simm.s32 $_tile_overlayer_lowered  }
0xa1: {  	s22 =	simm.s32 $0x1BFF;
	s21 =	sshll.u32 s7, $0x1;
	s4 =	sadd.s32 s5, s19  }
0xa2: {  	s8 =	simm.s32 $0x0;
	s20 =	sshll.u32 s6, $0x1;
	s6 =	sadd.s32 s21, s4  }
0xa3: {  	[timem:s8], [sflag:s22] =	dma.local [hbm:s6], s20  }
0xa4: {  	_ =	swait.ge [sflag:s22], s20  }
0xa5: {  	s5 =	ssub.s32 $0x0, s20;
	[sflag:s22] =	ssyncset.done $0x0  }
0xa6: {  	[sflag:s22] =	ssyncadd.s32 s5;
	_ =	sdelay $0x1  }
0xa7: {  	s23 =	simm.s32 $0x1B8B  }
0xa8: {  	_ =	swait.ge [sflag:s23], $0x1  }
0xa9: {  	[sflag:s23] =	ssyncset.done $0x0  }
0xaa: {  	s25 =	simm.s32 $0x1B8E;
	s24 =	sld [smem:$0x3FFE];
	[sflag:s23] =	ssyncadd.s32 $0xFFFFFFFF  }
0xab: {  	s26 =	simm.s32 $execute0_lowered;
	[smem:$0x3FD2] =	sst s25  }
0xac: {  	s6 =	sshll.u32 s26, $0x1;
	_ =	strace $0x80000049;
	[dreg:$0x1] =	wrdreg $0xFFFFFFFF  }
0xad: {  	s28 =	simm.s32 $_size_execute0_lowered;
	s4 =	sadd.s32 s4, s6;
	[dreg:$0x0] =	wrdreg $0x0  }
0xae: {  	s6 =	sshll.u32 s28, $0x1;
	[dreg:$0x2] =	wrdreg s4  }
0xaf: {  	[dreg:$0x3] =	wrdreg s6  }
0xb0: {  	[dreg:$0x4] =	wrdreg $0xC0  }
0xb1: {  	_ =	task [dreg:s8], $0x5FFFF  }
0xb2: {  	[dreg:$0x1] =	wrdreg $0xFFFFFFFF  }
0xb3: {  	[dreg:$0x0] =	wrdreg $0x60  }
0xb4: {  	[dreg:$0x2] =	wrdreg s16  }
0xb5: {  	[dreg:$0x3] =	wrdreg s24  }
0xb6: {  	[dreg:$0x4] =	wrdreg s17  }
0xb7: {  	[dreg:$0x5] =	wrdreg $0x90000  }
0xb8: {  	[dreg:$0x6] =	wrdreg $0x9  }
0xb9: {  	_ =	task.clear_ibuf [dreg:s8], $0x7FFFF;
	_ =	strace $0x90000049  }
0xba: {  	s29 =	simm.s32 $0x9;
	_ =	strace $0x8000004B  }
0xbb: {  	_ =	swait.ge [sflag:s29], $0x1  }
0xbc: {  	[sflag:s29] =	ssyncadd.s32 $0xFFFFFFFF  }
0xbd: {  	_ =	strace $0x9000004B  }
0xbe: {  	_ =	sfence  }
0xbf: {  	s30 =	sld [smem:$0x0];
	_ =	sdelay $0x2  }
0xc0: {  	s31 =	sshll.u32 s1, $0xD;
	s1 =	sshrl.u32 s1, $0x2  }
0xc1: {  	s3 =	sand.u32 $0x4000, s31;
	s1 =	sadd.s32 s1, s30  }
0xc2: {  	s0 =	sor.u32 s3, s0;
	s1 =	sshll.u32 s1, $0x11  }
0xc3: {  	s0 =	sor.u32 s1, s0  }
0xc4: {  	s0 =	sadd.s32 $0x8F2B, s0  }
0xc5: {  	[sflag:s0] =	ssyncadd.remote.s32 $0x1  }
0xc6: {  	_ =	sfence.sel $0xFFFF  }
0xc7: {  	[dreg:$0x0] =	wrdreg $0xFFFFFFFF;
	(pc) =	sbr.abs _section_cstart, $3  }
0xc8: {  	[dreg:$0x1] =	wrdreg $0xFFFFFFFF  }
0xc9: {  	_ =	task.clear_ibuf [dreg:s8], $0x2FFFF;
	_ =	strace $0x9FFFFFFF  }
0xca: {  	(tm) =	ssettm $0x7FFFFFFF  }
0xcb: {  	_ =	shalt  }
tec
execute0_lowered:
.L_overlay_start_1:
0x0: {  	(tag) =	ssettag $0x1  }
0x1: {  	s1 =	rddreg [dreg:$0x0]  }
0x2: {  	s7 =	rddreg [dreg:$0x1]  }
0x3: {  	s3 =	rddreg [dreg:$0x2]  }
0x4: {  	s4 =	rddreg [dreg:$0x3]  }
0x5: {  	s0 =	rddreg [dreg:$0x4];
	s2 =	stileid.u32  }
0x6: {  	s5 =	simm.s32 $0x0;
	s6 =	srdreg.scid;
	s15 =	simm.s32 $0x1000  }
0x7: {  	s16 =	simm.s32 $0x2;
	s17 =	simm.s32 $0x80;
	s18 =	simm.s32 $0xF80  }
0x8: {  	s19 =	simm.s32 $0x5000;
	s20 =	simm.s32 $0x8;
	s8 =	smul.u32 $0x2800, s2  }
0x9: {  	s21 =	simm.s32 $0x100;
	[smem:$0x7FF] =	sst s5;
	s10 =	smul.u32 $0x28000, s2  }
0xa: {  	s9 =	sand.u32 $0x1, s6;
	s6 =	sadd.s32 $0x3600, s7;
	s13 =	smul.u32 $0x50000, s2  }
0xb: {  	s31 =	sshll.u32 s2, $0x6;
	_ =	strace $0x8000004A;
	s11 =	sshll.u32 s9, $0xA  }
0xc: {  	s28 =	ssub.s32 $0x2, s9;
	s29 =	smul.u32 $0x50000, s9;
	s9 =	sor.u32 $0x1C03, s31  }
0xd: {  	s8 =	sadd.s32 s8, s7;
	s10 =	sor.u32 s11, s10;
	s12 =	sshrl.u32 s28, $0x1  }
0xe: {  	s30 =	sshrl.u32 s13, $0x2;
	s10 =	sshrl.u32 s10, $0x3;
	s12 =	ssub.s32 s28, s12  }
0xf: {  	s13 =	sadd.s32 s30, s4;
	s14 =	sadd.s32 s10, s7;
	s7 =	smul.u32 $0x5000, s2  }
0x10: {  	s8 =	sadd.s32 $0x8D800, s8;
	s12 =	smax.u32 s12, $0x1;
	s13 =	sshrl.u32 s13, $0x3  }
0x11: {  	s11 =	sadd.s32 $0xB5800, s14;
	s14 =	simm.s32 $0x3;
	s10 =	sadd.s32 s29, s7  }
.LBB2_1:
0x12: {  	[spmem:s13], [sflag:s9] =	dma.local [hbm:s8], $0x2800  }
0x13: {  	_ =	swait.ge [sflag:s14], $0x2800  }
0x14: {  	[sflag:s14] =	ssyncset.done $0x0  }
0x15: {  	[sflag:s14] =	ssyncadd.s32 $0xFFFFD800  }
0x16: {  	s22 =	simm.s32 $0x0;
	[bflag:$0x0] =	sbarrier.arrive $0xFFFF  }
.LBB2_2:
0x17: {  	s23 =	sshll.u32 s22, $0xB  }
0x18: {  	s24 =	sadd.s32 s10, s23  }
0x19: {  	s24 =	sshrl.u32 s24, $0x3  }
0x1a: {  	s25 =	simm.s32 $0x0;
	s24 =	sadd.s32 s6, s24  }
0x1b: {  	[tilespmem:s25], [sflag:$0x3] =	stream.linear.gather [hbm4b:s24+s25], $0x800, $0x38;
	[tilespmem:$0x1D000] =	vst v63  }
0x1c: {  	s23 =	sadd.s32 s7, s23;
	_ =	swait.ge [sflag:s14], $0x800  }
0x1d: {  	s23 =	sshrl.u32 s23, $0x3;
	[sflag:s14] =	ssyncset.done $0x0  }
0x1e: {  	s23 =	sadd.s32 s3, s23;
	s24 =	simm.s32 $0x800;
	[sflag:s14] =	ssyncadd.s32 $0xFFFFF800  }
0x1f: {  	[tilespmem:s24], [sflag:$0x3] =	stream.linear.gather [hbm4b:s23+s25], $0x800, $0x38;
	[tilespmem:$0x1D000] =	vst v63  }
0x20: {  	_ =	swait.ge [sflag:s14], $0x800  }
0x21: {  	[sflag:s14] =	ssyncset.done $0x0  }
0x22: {  	s23 =	simm.s32 $0x80;
	[sflag:s14] =	ssyncadd.s32 $0xFFFFF800  }
0x23: {  	[tilespmem:s15], [sflag:$0x1] =	stream.indirect.gather [hbm4b:s1+s23], $0x80, s25, s23, $0xb8;
	[tilespmem:$0x1D000] =	vst v63  }
0x24: {  	s25 =	sand.u32 $0x1, s25  }
0x25: {  	p0 =	seq.s32 s25, $0x1  }
0x26: {  	s25 =	simm.s32 @p0 $0x2  }
0x27: {  	_ =	swait.ge @p0 [sflag:s25], $0x4000  }
0x28: {  	[sflag:s25] =	ssyncset.done @p0 $0x0  }
0x29: {  	s26 =	simm.s32 @p0 $0x1000;
	[sflag:s25] =	ssyncadd.s32 @p0 $0xFFFFC000;
	s25 =	simm.s32 @p0 $0x80  }
0x2a: {  	[tilespmem:s26], [sflag:$0x1] =	stream.indirect.gather @p0 [hbm4b:s1+s25], $0x80, s23, s25, $0xb8;
	[tilespmem:$0x1D000] =	vst v63  }
0x2b: {  	s28 =	simm.s32 @!p0 $0x1;
	s26 =	simm.s32 @p0 $0x5000  }
0x2c: {  	[spmem:s4] =	stream.indirect.scatter.add.f32 @p0 [tilespmem:s26], [sflag:$0x3], $0x80, s24, s25, $0xb8;
	[tilespmem:$0x1D000] =	vst v63  }
0x2d: {  	_ =	swait.ge @!p0 [sflag:s28], $0x4000  }
0x2e: {  	s25 =	simm.s32 @!p0 $0x4;
	[sflag:s28] =	ssyncset.done @!p0 $0x0  }
0x2f: {  	s26 =	simm.s32 @!p0 $0x80;
	[sflag:s28] =	ssyncadd.s32 @!p0 $0xFFFFC000;
	s28 =	simm.s32 @!p0 $0x5000  }
0x30: {  	[tilespmem:s28], [sflag:$0x2] =	stream.indirect.gather @!p0 [hbm4b:s1+s26], $0x80, s23, s26, $0xb8;
	[tilespmem:$0x1D000] =	vst v63  }
0x31: {  	s25 =	simm.s32 @p0 $0x3;
	s28 =	simm.s32 $0x1;
	s23 =	simm.s32 @!p0 $0x1000  }
0x32: {  	[spmem:s4] =	stream.indirect.scatter.add.f32 @!p0 [tilespmem:s23], [sflag:$0x4], $0x80, s24, s26, $0xb8;
	[tilespmem:$0x1D000] =	vst v63  }
0x33: {  	s28 =	sand.u32 $0x1, s28;
	s26 =	simm.s32 $0x2;
	_ =	swait.ge [sflag:s25], $0x4000  }
0x34: {  	s23 =	simm.s32 $0x100;
	s24 =	simm.s32 $0x880;
	[sflag:s25] =	ssyncset.done $0x0  }
.LBB2_3:
0x35: {  	p1 =	seq.s32 s28, $0x1  }
0x36: {  	[sflag:s25] =	ssyncadd.s32 $0xFFFFC000;
	s28 =	smov.u32 s26;
	s26 =	sadd.s32 $0x1, s26  }
0x37: {  	p0 =	sne.s32 s26, $0xF;
	s29 =	simm.s32 @p1 $0x2;
	s25 =	simm.s32 @!p1 $0x4  }
0x38: {  	_ =	swait.ge @p1 [sflag:s29], $0x4000  }
0x39: {  	[sflag:s29] =	ssyncset.done @p1 $0x0  }
0x3a: {  	s30 =	simm.s32 @p1 $0x1000;
	[sflag:s29] =	ssyncadd.s32 @p1 $0xFFFFC000;
	s29 =	simm.s32 @p1 $0x80  }
0x3b: {  	[tilespmem:s30], [sflag:$0x1] =	stream.indirect.gather @p1 [hbm4b:s1+s29], $0x80, s23, s29, $0xb8;
	[tilespmem:$0x1D000] =	vst v63  }
0x3c: {  	s31 =	simm.s32 @!p1 $0x1;
	s30 =	simm.s32 @p1 $0x5000  }
0x3d: {  	[spmem:s4] =	stream.indirect.scatter.add.f32 @p1 [tilespmem:s30], [sflag:$0x3], $0x80, s24, s29, $0xb8;
	[tilespmem:$0x1D000] =	vst v63  }
0x3e: {  	_ =	swait.ge @!p1 [sflag:s31], $0x4000  }
0x3f: {  	[sflag:s31] =	ssyncset.done @!p1 $0x0  }
0x40: {  	s29 =	simm.s32 @!p1 $0x80;
	s30 =	simm.s32 @!p1 $0x5000;
	[sflag:s31] =	ssyncadd.s32 @!p1 $0xFFFFC000  }
0x41: {  	[tilespmem:s30], [sflag:$0x2] =	stream.indirect.gather @!p1 [hbm4b:s1+s29], $0x80, s23, s29, $0xb8;
	[tilespmem:$0x1D000] =	vst v63  }
.Ltmp0:
0x42: {  	_ = 	snop;
	(pc) =	sbr.rel @p0 .LBB2_3-.Ltmp0, $4  }
0x43: {  	s25 =	simm.s32 @p1 $0x3;
	s30 =	simm.s32 @!p1 $0x1000  }
0x44: {  	[spmem:s4] =	stream.indirect.scatter.add.f32 @!p1 [tilespmem:s30], [sflag:$0x4], $0x80, s24, s29, $0xb8;
	[tilespmem:$0x1D000] =	vst v63  }
0x45: {  	s23 =	sadd.s32 $0x80, s23;
	_ =	swait.ge [sflag:s25], $0x4000  }
0x46: {  	s28 =	sand.u32 $0x1, s28;
	s24 =	sadd.s32 $0x80, s24;
	[sflag:s25] =	ssyncset.done $0x0  }
0x47: {  	p0 =	seq.s32 s28, $0x1  }
0x48: {  	[sflag:s25] =	ssyncadd.s32 $0xFFFFC000;
	s25 =	simm.s32 @p0 $0x2  }
0x49: {  	_ =	swait.ge @p0 [sflag:s25], $0x4000  }
0x4a: {  	[sflag:s25] =	ssyncset.done @p0 $0x0  }
0x4b: {  	s26 =	simm.s32 @p0 $0x1000;
	[sflag:s25] =	ssyncadd.s32 @p0 $0xFFFFC000;
	s25 =	simm.s32 @p0 $0x80  }
0x4c: {  	[tilespmem:s26], [sflag:$0x1] =	stream.indirect.gather @p0 [hbm4b:s1+s25], $0x80, s23, s25, $0xb8;
	[tilespmem:$0x1D000] =	vst v63  }
0x4d: {  	s28 =	simm.s32 @!p0 $0x1;
	s26 =	simm.s32 @p0 $0x5000  }
0x4e: {  	[spmem:s4] =	stream.indirect.scatter.add.f32 @p0 [tilespmem:s26], [sflag:$0x3], $0x80, s24, s25, $0xb8;
	[tilespmem:$0x1D000] =	vst v63  }
0x4f: {  	_ =	swait.ge @!p0 [sflag:s28], $0x4000  }
0x50: {  	s25 =	simm.s32 @!p0 $0x4;
	[sflag:s28] =	ssyncset.done @!p0 $0x0  }
0x51: {  	s26 =	simm.s32 @!p0 $0x80;
	[sflag:s28] =	ssyncadd.s32 @!p0 $0xFFFFC000;
	s28 =	simm.s32 @!p0 $0x5000  }
0x52: {  	[tilespmem:s28], [sflag:$0x2] =	stream.indirect.gather @!p0 [hbm4b:s1+s26], $0x80, s23, s26, $0xb8;
	[tilespmem:$0x1D000] =	vst v63  }
0x53: {  	s25 =	simm.s32 @p0 $0x3;
	s23 =	simm.s32 @!p0 $0x1000  }
0x54: {  	[spmem:s4] =	stream.indirect.scatter.add.f32 @!p0 [tilespmem:s23], [sflag:$0x4], $0x80, s24, s26, $0xb8;
	[tilespmem:$0x1D000] =	vst v63  }
0x55: {  	_ =	swait.ge [sflag:s25], $0x4000  }
0x56: {  	[sflag:s25] =	ssyncset.done $0x0  }
0x57: {  	[sflag:s25] =	ssyncadd.s32 $0xFFFFC000  }
0x58: {  	s22 =	sadd.s32 $0x1, s22;
	_ =	swait.ge [sflag:s16], $0x4000  }
0x59: {  	p0 =	sne.s32 s22, $0xA;
	[sflag:s16] =	ssyncset.done $0x0  }
.Ltmp1:
0x5a: {  	[sflag:s16] =	ssyncadd.s32 $0xFFFFC000;
	(pc) =	sbr.rel @p0 .LBB2_2-.Ltmp1, $4  }
0x5b: {  	[spmem:s4] =	stream.indirect.scatter.add.f32 [tilespmem:s19], [sflag:$0x3], $0x80, s18, s17, $0xb8;
	[tilespmem:$0x1D000] =	vst v63  }
0x5c: {  	_ =	swait.ge [sflag:s14], $0x4000  }
0x5d: {  	[sflag:s14] =	ssyncset.done $0x0  }
0x5e: {  	[sflag:s14] =	ssyncadd.s32 $0xFFFFC000  }
0x5f: {  	s5 =	sadd.s32 $0x1, s5  }
0x60: {  	p0 =	sne.s32 s5, s12  }
.Ltmp2:
0x61: {  	[bflag:$0x0] =	sbarrier.arrive $0xFFFF;
	(pc) =	sbr.rel @p0 .LBB2_1-.Ltmp2, $4  }
0x62: {  	[hbm:s11@s21], [sflag:s9] =	dma.strided [spmem:s13@s17], $0x2800, s20, $0x10   }
0x63: {  	_ =	swait.ge [sflag:s14], $0x2800  }
0x64: {  	[sflag:s14] =	ssyncset.done $0x0  }
0x65: {  	[sflag:s14] =	ssyncadd.s32 $0xFFFFD800  }
0x66: {  	_ =	sfence.sel $0x180000  }
0x67: {  	[bflag:$0x0] =	sbarrier.arrive $0xFFFF  }
0x68: {  	p0 =	sne.s32 s2, $0x0;
	_ =	strace $0x9000004A  }
0x69: {  	s0 =	sadd.s32 @!p0 $0x100000, s0;
	[bflag:$0x2] =	sbarrier.arrive $0xFFFF  }
0x6a: {  	[sflag:s0] =	ssyncadd.tile.s32 @!p0 $0x1;
	_ =	shalt  }
.Lfunc_end2:
_tile_overlayer_lowered:
.L_overlay_start_2:
0x6b: {  	(tag) =	ssettag $0x2  }
0x6c: {  	s0 =	rddreg [dreg:$0x0];
	s2 =	stileid.u32  }
0x6d: {  	s1 =	rddreg [dreg:$0x1];
	p0 =	sne.s32 s2, $0x0  }
0x6e: {  	s3 =	rddreg [dreg:$0x2];
	[bflag:$0x3] =	sbarrier.arrive $0xFFFF;
	s2 =	simm.s32 @!p0 $0x1C03  }
0x6f: {  	[timem:s3], [sflag:s2] =	dma.local @!p0 [hbm:s0], s1  }
0x70: {  	s0 =	simm.s32 @!p0 $0x3  }
0x71: {  	_ =	swait.ge @!p0 [sflag:s0], s1  }
0x72: {  	s1 =	ssub.s32 @!p0 $0x0, s1;
	[sflag:s0] =	ssyncset.done @!p0 $0x0  }
0x73: {  	[sflag:s0] =	ssyncadd.s32 @!p0 s1  }
0x74: {  	[bflag:$0x3] =	sbarrier.arrive $0xFFFF  }
0x75: {  	_ =	shalt  }

// kernel: kernel.14.cloned.1.call-start
scs
__scs_entry_jumppad:
0x0: {  	(pc) =	sbr.rel $0x88, $3  }
0x1: {  	(tag) =	ssettag $0x0;
	lr =	simm.s32 $0x1  }
0x2: {  	[smem:$0x3F95] =	sst lr;
	_ =	strace $0xD0000000  }
0x3: {  	_ = 	snop  }
0x4: {  	_ = 	snop  }
0x5: {  	_ = 	snop  }
0x6: {  	_ = 	snop  }
0x7: {  	_ = 	snop  }
__scs_overlays_trampoline_lowered:
0x8: {  	[smem:$0x3FA4] =	sst s0  }
0x9: {  	[smem:$0x3FA5] =	sst s1  }
0xa: {  	[smem:$0x3FA6] =	sst s2  }
0xb: {  	[smem:$0x3FA7] =	sst s3  }
0xc: {  	[smem:$0x3FA8] =	sst s4  }
0xd: {  	[smem:$0x3FA9] =	sst s5  }
0xe: {  	[smem:$0x3FAA] =	sst s6  }
0xf: {  	[smem:$0x3FAB] =	sst s7  }
0x10: {  	[smem:$0x3FAC] =	sst s8  }
0x11: {  	[smem:$0x3FAD] =	sst s9;
	s0 =	simm.s32 @!p0 $0x0  }
0x12: {  	s1 =	sld [smem:$0x3F93];
	s0 =	simm.s32 @p0 $0x1  }
0x13: {  	[smem:$0x3FAE] =	sst s0;
	s0 =	simm.s32 @!p1 $0x0  }
0x14: {  	s2 =	sld [smem:$0x3F92];
	s0 =	simm.s32 @p1 $0x1  }
0x15: {  	[smem:$0x3FAF] =	sst s0;
	s0 =	simm.s32 @!p2 $0x0  }
0x16: {  	s3 =	sld [smem:$0x3FDB];
	s0 =	simm.s32 @p2 $0x1  }
0x17: {  	s4 =	simm.s32 $0x1BF5;
	[smem:$0x3FB1] =	sst s0  }
0x18: {  	s0 =	sld [smem:$0x3F94];
	_ =	swait.ge [sflag:s4], $0x0  }
0x19: {  	s7 =	sld [smem:$0x3F95]  }
0x1a: {  	s8 =	sadd.s32 $0xFFFFE003, lr  }
0x1b: {  	s9 =	sadd.s32 $0xFFFFFEF7, lr;
	s5 =	simm.s32 $0xFFFFFFFF;
	p2 =	slt.u32 s8, $0xFFFFF086  }
0x1c: {  	p1 =	slt.u32 s9, $0xF7A;
	s5 =	simm.s32 @!p2 $0x0  }
0x1d: {  	s5 =	simm.s32 @p1 $0x1;
	p0 =	seq.s32 s7, s2  }
0x1e: {  	s7 =	smul.u32 @!p0 $0xF7A, s2;
	p2 =	seq.s32 @!p0 s5, $0x0  }
0x1f: {  	s9 =	smul.u32 $0xF7A, s1;
	s8 =	simm.s32 @!p0 $0x1BF5;
	p2 =	por !p2, p0  }
0x20: {  	[sflag:s8] =	ssyncset.s32 @!p0 $0xFFFFF086;
	s6 =	sadd.s32 @!p0 s3, s7;
	s7 =	simm.s32 @!p0 $0x108  }
0x21: {  	s3 =	sadd.s32 s3, s9;
	s6 =	sadd.s32 @!p0 $0x88, s6;
	s7 =	simm.s32 @p2 $0x1082  }
0x22: {  	[simem:s7], [sflag:s8] =	dma.local @!p0 [hbm:s6], $0xF7A  }
0x23: {  	s9 =	sor.u32 $0xD0000000, s2;
	s6 =	simm.s32 $0x108;
	_ =	swait.ge @!p0 [sflag:s8], $0x0  }
0x24: {  	s3 =	sadd.s32 $0x88, s3;
	s6 =	simm.s32 @!p1 $0x1082;
	[sflag:s4] =	ssyncset.s32 $0xFFFFF086  }
0x25: {  	[simem:s6], [sflag:s4] =	dma.local [hbm:s3], $0xF7A  }
0x26: {  	[smem:$0x3F95] =	sst s1;
	(tag) =	ssettag s2;
	_ =	strace s9  }
0x27: {  	s1 =	sld [smem:$0x3FA5]  }
0x28: {  	s2 =	sld [smem:$0x3FA6]  }
0x29: {  	s4 =	sld [smem:$0x3FA8]  }
0x2a: {  	p0 =	seq.s32 s5, $0x0;
	s5 =	sld [smem:$0x3FA9]  }
0x2b: {  	s6 =	sld [smem:$0x3FAA]  }
0x2c: {  	s7 =	sld [smem:$0x3FAB]  }
0x2d: {  	s3 =	simm.s32 $0x108;
	s8 =	sld [smem:$0x3FAC]  }
0x2e: {  	s3 =	simm.s32 @!p0 $0x1082;
	s9 =	sld [smem:$0x3FAD]  }
0x2f: {  	lr =	sadd.s32 s0, s3;
	s0 =	sld [smem:$0x3FA4]  }
0x30: {  	s3 =	sld [smem:$0x3FA7]  }
0x31: {  	[smem:$0x3FB0] =	sst s10  }
0x32: {  	s10 =	sld [smem:$0x3FAE];
	_ =	sdelay $0x3  }
0x33: {  	p0 =	seq.s32 s10, $0x1;
	s10 =	sld [smem:$0x3FB0];
	_ =	sdelay $0x3  }
0x34: {  	[smem:$0x3FB0] =	sst s10  }
0x35: {  	s10 =	sld [smem:$0x3FAF];
	_ =	sdelay $0x3  }
0x36: {  	p1 =	seq.s32 s10, $0x1;
	s10 =	sld [smem:$0x3FB0];
	_ =	sdelay $0x3  }
0x37: {  	[smem:$0x3FB0] =	sst s10  }
0x38: {  	s10 =	sld [smem:$0x3FB1]  }
0x39: {  	_ = 	snop;
	(pc) =	sbr.ind lr, $3  }
0x3a: {  	_ = 	snop  }
0x3b: {  	_ = 	snop  }
0x3c: {  	p2 =	seq.s32 s10, $0x1;
	s10 =	sld [smem:$0x3FB0]  }
0x3d: {  	_ =	shalt  }
0x3e: {  	_ =	shalt  }
0x3f: {  	_ =	shalt  }
0x40: {  	_ =	shalt  }
0x41: {  	_ =	shalt  }
0x42: {  	_ =	shalt  }
0x43: {  	_ =	shalt  }
0x44: {  	_ =	shalt  }
0x45: {  	_ =	shalt  }
0x46: {  	_ =	shalt  }
0x47: {  	_ =	shalt  }
0x48: {  	_ =	shalt  }
0x49: {  	_ =	shalt  }
0x4a: {  	_ =	shalt  }
0x4b: {  	_ =	shalt  }
0x4c: {  	_ =	shalt  }
0x4d: {  	_ =	shalt  }
0x4e: {  	_ =	shalt  }
0x4f: {  	_ =	shalt  }
0x50: {  	_ =	shalt  }
0x51: {  	_ =	shalt  }
0x52: {  	_ =	shalt  }
0x53: {  	_ =	shalt  }
0x54: {  	_ =	shalt  }
0x55: {  	_ =	shalt  }
0x56: {  	_ =	shalt  }
0x57: {  	_ =	shalt  }
0x58: {  	_ =	shalt  }
0x59: {  	_ =	shalt  }
0x5a: {  	_ =	shalt  }
0x5b: {  	_ =	shalt  }
0x5c: {  	_ =	shalt  }
0x5d: {  	_ =	shalt  }
0x5e: {  	_ =	shalt  }
0x5f: {  	_ =	shalt  }
0x60: {  	_ =	shalt  }
0x61: {  	_ =	shalt  }
0x62: {  	_ =	shalt  }
0x63: {  	_ =	shalt  }
0x64: {  	_ =	shalt  }
0x65: {  	_ =	shalt  }
0x66: {  	_ =	shalt  }
0x67: {  	_ =	shalt  }
0x68: {  	_ =	shalt  }
0x69: {  	_ =	shalt  }
0x6a: {  	_ =	shalt  }
0x6b: {  	_ =	shalt  }
0x6c: {  	_ =	shalt  }
0x6d: {  	_ =	shalt  }
0x6e: {  	_ =	shalt  }
0x6f: {  	_ =	shalt  }
0x70: {  	_ =	shalt  }
0x71: {  	_ =	shalt  }
0x72: {  	_ =	shalt  }
0x73: {  	_ =	shalt  }
0x74: {  	_ =	shalt  }
0x75: {  	_ =	shalt  }
0x76: {  	_ =	shalt  }
0x77: {  	_ =	shalt  }
0x78: {  	_ =	shalt  }
0x79: {  	_ =	shalt  }
0x7a: {  	_ =	shalt  }
0x7b: {  	_ =	shalt  }
0x7c: {  	_ =	shalt  }
0x7d: {  	_ =	shalt  }
0x7e: {  	_ =	shalt  }
0x7f: {  	_ =	shalt  }
0x80: {  	_ =	shalt  }
0x81: {  	_ =	shalt  }
0x82: {  	_ =	shalt  }
0x83: {  	_ =	shalt  }
0x84: {  	_ =	shalt  }
0x85: {  	_ =	shalt  }
0x86: {  	_ =	shalt  }
0x87: {  	_ =	shalt  }
.Lfunc_end0:
.L_simem_size_0:
called_computation.2_lowered:
.L_overlay_start_0:
0x88: {  	s2 =	sld [smem:$0x3FD9]  }
0x89: {  	s3 =	sld [smem:$0x3FFE];
	_ =	sdelay $0x1  }
0x8a: {  	s1 =	srdreg.scid  }
0x8b: {  	s0 =	sand.u32 $0x1, s1  }
0x8c: {  	s14 =	sshll.u32 s0, $0xA;
	s2 =	sadd.s32 s3, s2  }
0x8d: {  	s2 =	sadd.s32 s2, s14  }
0x8e: {  	[smem:$0x3FBC] =	sst s2  }
0x8f: {  	_ = 	snop  }
0x90: {  	s2 =	sld [smem:$0x3FD0];
	_ =	sdelay $0x2  }
0x91: {  	s15 =	simm.s32 $0xA;
	s4 =	simm.s32 $0x10  }
0x92: {  	[smem:s4], [sflag:s15] =	dma.local [hbm:s2], $0x1  }
0x93: {  	_ =	swait.eq [sflag:s15], $0x1  }
0x94: {  	[sflag:s15] =	ssyncset.done $0x0  }
0x95: {  	s16 =	sld [smem:$0x10];
	[sflag:s15] =	ssyncadd.s32 $0xFFFFFFFF  }
0x96: {  	s17 =	sld [smem:$0x11];
	(tm) =	ssettm $0x1  }
0x97: {  	s18 =	sld [smem:$0x3FFB];
	_ =	sdelay $0x3  }
0x98: {  	_ =	strace s18  }
0x99: {  	s4 =	sld [smem:$0x3FFC];
	_ =	sdelay $0x3  }
0x9a: {  	_ =	strace s4  }
0x9b: {  	s4 =	sld [smem:$0x3FFD];
	_ =	sdelay $0x3  }
0x9c: {  	_ =	strace s4  }
0x9d: {  	_ =	strace $0x8FFFFFFF  }
0x9e: {  	s19 =	sld [smem:$0x3FDB];
	_ =	sdelay $0x1  }
0x9f: {  	s5 =	simm.s32 $_scs_section_size  }
0xa0: {  	s6 =	simm.s32 $_size__tile_overlayer_lowered;
	s7 =	simm.s32 $_tile_overlayer_lowered  }
0xa1: {  	s22 =	simm.s32 $0x1BFF;
	s21 =	sshll.u32 s7, $0x1;
	s4 =	sadd.s32 s5, s19  }
0xa2: {  	s8 =	simm.s32 $0x0;
	s20 =	sshll.u32 s6, $0x1;
	s6 =	sadd.s32 s21, s4  }
0xa3: {  	[timem:s8], [sflag:s22] =	dma.local [hbm:s6], s20  }
0xa4: {  	_ =	swait.ge [sflag:s22], s20  }
0xa5: {  	s5 =	ssub.s32 $0x0, s20;
	[sflag:s22] =	ssyncset.done $0x0  }
0xa6: {  	[sflag:s22] =	ssyncadd.s32 s5;
	_ =	sdelay $0x1  }
0xa7: {  	s23 =	simm.s32 $0x1B8B  }
0xa8: {  	_ =	swait.ge [sflag:s23], $0x1  }
0xa9: {  	[sflag:s23] =	ssyncset.done $0x0  }
0xaa: {  	s25 =	simm.s32 $0x1B8E;
	s24 =	sld [smem:$0x3FFE];
	[sflag:s23] =	ssyncadd.s32 $0xFFFFFFFF  }
0xab: {  	s26 =	simm.s32 $execute0_lowered;
	[smem:$0x3FD2] =	sst s25  }
0xac: {  	s6 =	sshll.u32 s26, $0x1;
	_ =	strace $0x8000004C;
	[dreg:$0x1] =	wrdreg $0xFFFFFFFF  }
0xad: {  	s28 =	simm.s32 $_size_execute0_lowered;
	s4 =	sadd.s32 s4, s6;
	[dreg:$0x0] =	wrdreg $0x0  }
0xae: {  	s6 =	sshll.u32 s28, $0x1;
	[dreg:$0x2] =	wrdreg s4  }
0xaf: {  	[dreg:$0x3] =	wrdreg s6  }
0xb0: {  	[dreg:$0x4] =	wrdreg $0xC0  }
0xb1: {  	_ =	task [dreg:s8], $0x5FFFF  }
0xb2: {  	[dreg:$0x1] =	wrdreg $0xFFFFFFFF  }
0xb3: {  	[dreg:$0x0] =	wrdreg $0x60  }
0xb4: {  	[dreg:$0x2] =	wrdreg s16  }
0xb5: {  	[dreg:$0x3] =	wrdreg s24  }
0xb6: {  	[dreg:$0x4] =	wrdreg s17  }
0xb7: {  	[dreg:$0x5] =	wrdreg $0x90000  }
0xb8: {  	[dreg:$0x6] =	wrdreg $0x9  }
0xb9: {  	_ =	task.clear_ibuf [dreg:s8], $0x7FFFF;
	_ =	strace $0x9000004C  }
0xba: {  	s29 =	simm.s32 $0x9;
	_ =	strace $0x8000004E  }
0xbb: {  	_ =	swait.ge [sflag:s29], $0x1  }
0xbc: {  	[sflag:s29] =	ssyncadd.s32 $0xFFFFFFFF  }
0xbd: {  	_ =	strace $0x9000004E  }
0xbe: {  	_ =	sfence  }
0xbf: {  	s30 =	sld [smem:$0x0];
	_ =	sdelay $0x2  }
0xc0: {  	s31 =	sshll.u32 s1, $0xD;
	s1 =	sshrl.u32 s1, $0x2  }
0xc1: {  	s3 =	sand.u32 $0x4000, s31;
	s1 =	sadd.s32 s1, s30  }
0xc2: {  	s0 =	sor.u32 s3, s0;
	s1 =	sshll.u32 s1, $0x11  }
0xc3: {  	s0 =	sor.u32 s1, s0  }
0xc4: {  	s0 =	sadd.s32 $0x8F2B, s0  }
0xc5: {  	[sflag:s0] =	ssyncadd.remote.s32 $0x1  }
0xc6: {  	_ =	sfence.sel $0xFFFF  }
0xc7: {  	[dreg:$0x0] =	wrdreg $0xFFFFFFFF;
	(pc) =	sbr.abs _section_cstart, $3  }
0xc8: {  	[dreg:$0x1] =	wrdreg $0xFFFFFFFF  }
0xc9: {  	_ =	task.clear_ibuf [dreg:s8], $0x2FFFF;
	_ =	strace $0x9FFFFFFF  }
0xca: {  	(tm) =	ssettm $0x7FFFFFFF  }
0xcb: {  	_ =	shalt  }
tec
execute0_lowered:
.L_overlay_start_1:
0x0: {  	(tag) =	ssettag $0x1  }
0x1: {  	s1 =	rddreg [dreg:$0x0]  }
0x2: {  	s7 =	rddreg [dreg:$0x1]  }
0x3: {  	s3 =	rddreg [dreg:$0x2]  }
0x4: {  	s4 =	rddreg [dreg:$0x3]  }
0x5: {  	s0 =	rddreg [dreg:$0x4];
	s2 =	stileid.u32  }
0x6: {  	s5 =	simm.s32 $0x0;
	s6 =	srdreg.scid;
	s15 =	simm.s32 $0x1000  }
0x7: {  	s16 =	simm.s32 $0x2;
	s17 =	simm.s32 $0x80;
	s18 =	simm.s32 $0xF80  }
0x8: {  	s19 =	simm.s32 $0x5000;
	s20 =	simm.s32 $0x8;
	s8 =	smul.u32 $0x2800, s2  }
0x9: {  	s21 =	simm.s32 $0x100;
	[smem:$0x7FF] =	sst s5;
	s10 =	smul.u32 $0x28000, s2  }
0xa: {  	s9 =	sand.u32 $0x1, s6;
	s6 =	sadd.s32 $0x3600, s7;
	s13 =	smul.u32 $0x50000, s2  }
0xb: {  	s31 =	sshll.u32 s2, $0x6;
	_ =	strace $0x8000004D;
	s11 =	sshll.u32 s9, $0xA  }
0xc: {  	s28 =	ssub.s32 $0x2, s9;
	s29 =	smul.u32 $0x50000, s9;
	s9 =	sor.u32 $0x1C03, s31  }
0xd: {  	s8 =	sadd.s32 s8, s7;
	s10 =	sor.u32 s11, s10;
	s12 =	sshrl.u32 s28, $0x1  }
0xe: {  	s30 =	sshrl.u32 s13, $0x2;
	s10 =	sshrl.u32 s10, $0x3;
	s12 =	ssub.s32 s28, s12  }
0xf: {  	s13 =	sadd.s32 s30, s4;
	s14 =	sadd.s32 s10, s7;
	s7 =	smul.u32 $0x5000, s2  }
0x10: {  	s8 =	sadd.s32 $0x8D800, s8;
	s12 =	smax.u32 s12, $0x1;
	s13 =	sshrl.u32 s13, $0x3  }
0x11: {  	s11 =	sadd.s32 $0x17600, s14;
	s14 =	simm.s32 $0x3;
	s10 =	sadd.s32 s29, s7  }
.LBB2_1:
0x12: {  	[spmem:s13], [sflag:s9] =	dma.local [hbm:s8], $0x2800  }
0x13: {  	_ =	swait.ge [sflag:s14], $0x2800  }
0x14: {  	[sflag:s14] =	ssyncset.done $0x0  }
0x15: {  	[sflag:s14] =	ssyncadd.s32 $0xFFFFD800  }
0x16: {  	s22 =	simm.s32 $0x0;
	[bflag:$0x0] =	sbarrier.arrive $0xFFFF  }
.LBB2_2:
0x17: {  	s23 =	sshll.u32 s22, $0xB  }
0x18: {  	s24 =	sadd.s32 s10, s23  }
0x19: {  	s24 =	sshrl.u32 s24, $0x3  }
0x1a: {  	s25 =	simm.s32 $0x0;
	s24 =	sadd.s32 s6, s24  }
0x1b: {  	[tilespmem:s25], [sflag:$0x3] =	stream.linear.gather [hbm4b:s24+s25], $0x800, $0x38;
	[tilespmem:$0x1D000] =	vst v63  }
0x1c: {  	s23 =	sadd.s32 s7, s23;
	_ =	swait.ge [sflag:s14], $0x800  }
0x1d: {  	s23 =	sshrl.u32 s23, $0x3;
	[sflag:s14] =	ssyncset.done $0x0  }
0x1e: {  	s23 =	sadd.s32 s3, s23;
	s24 =	simm.s32 $0x800;
	[sflag:s14] =	ssyncadd.s32 $0xFFFFF800  }
0x1f: {  	[tilespmem:s24], [sflag:$0x3] =	stream.linear.gather [hbm4b:s23+s25], $0x800, $0x38;
	[tilespmem:$0x1D000] =	vst v63  }
0x20: {  	_ =	swait.ge [sflag:s14], $0x800  }
0x21: {  	[sflag:s14] =	ssyncset.done $0x0  }
0x22: {  	s23 =	simm.s32 $0x80;
	[sflag:s14] =	ssyncadd.s32 $0xFFFFF800  }
0x23: {  	[tilespmem:s15], [sflag:$0x1] =	stream.indirect.gather [hbm4b:s1+s23], $0x80, s25, s23, $0xb8;
	[tilespmem:$0x1D000] =	vst v63  }
0x24: {  	s25 =	sand.u32 $0x1, s25  }
0x25: {  	p0 =	seq.s32 s25, $0x1  }
0x26: {  	s25 =	simm.s32 @p0 $0x2  }
0x27: {  	_ =	swait.ge @p0 [sflag:s25], $0x4000  }
0x28: {  	[sflag:s25] =	ssyncset.done @p0 $0x0  }
0x29: {  	s26 =	simm.s32 @p0 $0x1000;
	[sflag:s25] =	ssyncadd.s32 @p0 $0xFFFFC000;
	s25 =	simm.s32 @p0 $0x80  }
0x2a: {  	[tilespmem:s26], [sflag:$0x1] =	stream.indirect.gather @p0 [hbm4b:s1+s25], $0x80, s23, s25, $0xb8;
	[tilespmem:$0x1D000] =	vst v63  }
0x2b: {  	s28 =	simm.s32 @!p0 $0x1;
	s26 =	simm.s32 @p0 $0x5000  }
0x2c: {  	[spmem:s4] =	stream.indirect.scatter.add.f32 @p0 [tilespmem:s26], [sflag:$0x3], $0x80, s24, s25, $0xb8;
	[tilespmem:$0x1D000] =	vst v63  }
0x2d: {  	_ =	swait.ge @!p0 [sflag:s28], $0x4000  }
0x2e: {  	s25 =	simm.s32 @!p0 $0x4;
	[sflag:s28] =	ssyncset.done @!p0 $0x0  }
0x2f: {  	s26 =	simm.s32 @!p0 $0x80;
	[sflag:s28] =	ssyncadd.s32 @!p0 $0xFFFFC000;
	s28 =	simm.s32 @!p0 $0x5000  }
0x30: {  	[tilespmem:s28], [sflag:$0x2] =	stream.indirect.gather @!p0 [hbm4b:s1+s26], $0x80, s23, s26, $0xb8;
	[tilespmem:$0x1D000] =	vst v63  }
0x31: {  	s25 =	simm.s32 @p0 $0x3;
	s28 =	simm.s32 $0x1;
	s23 =	simm.s32 @!p0 $0x1000  }
0x32: {  	[spmem:s4] =	stream.indirect.scatter.add.f32 @!p0 [tilespmem:s23], [sflag:$0x4], $0x80, s24, s26, $0xb8;
	[tilespmem:$0x1D000] =	vst v63  }
0x33: {  	s28 =	sand.u32 $0x1, s28;
	s26 =	simm.s32 $0x2;
	_ =	swait.ge [sflag:s25], $0x4000  }
0x34: {  	s23 =	simm.s32 $0x100;
	s24 =	simm.s32 $0x880;
	[sflag:s25] =	ssyncset.done $0x0  }
.LBB2_3:
0x35: {  	p1 =	seq.s32 s28, $0x1  }
0x36: {  	[sflag:s25] =	ssyncadd.s32 $0xFFFFC000;
	s28 =	smov.u32 s26;
	s26 =	sadd.s32 $0x1, s26  }
0x37: {  	p0 =	sne.s32 s26, $0xF;
	s29 =	simm.s32 @p1 $0x2;
	s25 =	simm.s32 @!p1 $0x4  }
0x38: {  	_ =	swait.ge @p1 [sflag:s29], $0x4000  }
0x39: {  	[sflag:s29] =	ssyncset.done @p1 $0x0  }
0x3a: {  	s30 =	simm.s32 @p1 $0x1000;
	[sflag:s29] =	ssyncadd.s32 @p1 $0xFFFFC000;
	s29 =	simm.s32 @p1 $0x80  }
0x3b: {  	[tilespmem:s30], [sflag:$0x1] =	stream.indirect.gather @p1 [hbm4b:s1+s29], $0x80, s23, s29, $0xb8;
	[tilespmem:$0x1D000] =	vst v63  }
0x3c: {  	s31 =	simm.s32 @!p1 $0x1;
	s30 =	simm.s32 @p1 $0x5000  }
0x3d: {  	[spmem:s4] =	stream.indirect.scatter.add.f32 @p1 [tilespmem:s30], [sflag:$0x3], $0x80, s24, s29, $0xb8;
	[tilespmem:$0x1D000] =	vst v63  }
0x3e: {  	_ =	swait.ge @!p1 [sflag:s31], $0x4000  }
0x3f: {  	[sflag:s31] =	ssyncset.done @!p1 $0x0  }
0x40: {  	s29 =	simm.s32 @!p1 $0x80;
	s30 =	simm.s32 @!p1 $0x5000;
	[sflag:s31] =	ssyncadd.s32 @!p1 $0xFFFFC000  }
0x41: {  	[tilespmem:s30], [sflag:$0x2] =	stream.indirect.gather @!p1 [hbm4b:s1+s29], $0x80, s23, s29, $0xb8;
	[tilespmem:$0x1D000] =	vst v63  }
.Ltmp0:
0x42: {  	_ = 	snop;
	(pc) =	sbr.rel @p0 .LBB2_3-.Ltmp0, $4  }
0x43: {  	s25 =	simm.s32 @p1 $0x3;
	s30 =	simm.s32 @!p1 $0x1000  }
0x44: {  	[spmem:s4] =	stream.indirect.scatter.add.f32 @!p1 [tilespmem:s30], [sflag:$0x4], $0x80, s24, s29, $0xb8;
	[tilespmem:$0x1D000] =	vst v63  }
0x45: {  	s23 =	sadd.s32 $0x80, s23;
	_ =	swait.ge [sflag:s25], $0x4000  }
0x46: {  	s28 =	sand.u32 $0x1, s28;
	s24 =	sadd.s32 $0x80, s24;
	[sflag:s25] =	ssyncset.done $0x0  }
0x47: {  	p0 =	seq.s32 s28, $0x1  }
0x48: {  	[sflag:s25] =	ssyncadd.s32 $0xFFFFC000;
	s25 =	simm.s32 @p0 $0x2  }
0x49: {  	_ =	swait.ge @p0 [sflag:s25], $0x4000  }
0x4a: {  	[sflag:s25] =	ssyncset.done @p0 $0x0  }
0x4b: {  	s26 =	simm.s32 @p0 $0x1000;
	[sflag:s25] =	ssyncadd.s32 @p0 $0xFFFFC000;
	s25 =	simm.s32 @p0 $0x80  }
0x4c: {  	[tilespmem:s26], [sflag:$0x1] =	stream.indirect.gather @p0 [hbm4b:s1+s25], $0x80, s23, s25, $0xb8;
	[tilespmem:$0x1D000] =	vst v63  }
0x4d: {  	s28 =	simm.s32 @!p0 $0x1;
	s26 =	simm.s32 @p0 $0x5000  }
0x4e: {  	[spmem:s4] =	stream.indirect.scatter.add.f32 @p0 [tilespmem:s26], [sflag:$0x3], $0x80, s24, s25, $0xb8;
	[tilespmem:$0x1D000] =	vst v63  }
0x4f: {  	_ =	swait.ge @!p0 [sflag:s28], $0x4000  }
0x50: {  	s25 =	simm.s32 @!p0 $0x4;
	[sflag:s28] =	ssyncset.done @!p0 $0x0  }
0x51: {  	s26 =	simm.s32 @!p0 $0x80;
	[sflag:s28] =	ssyncadd.s32 @!p0 $0xFFFFC000;
	s28 =	simm.s32 @!p0 $0x5000  }
0x52: {  	[tilespmem:s28], [sflag:$0x2] =	stream.indirect.gather @!p0 [hbm4b:s1+s26], $0x80, s23, s26, $0xb8;
	[tilespmem:$0x1D000] =	vst v63  }
0x53: {  	s25 =	simm.s32 @p0 $0x3;
	s23 =	simm.s32 @!p0 $0x1000  }
0x54: {  	[spmem:s4] =	stream.indirect.scatter.add.f32 @!p0 [tilespmem:s23], [sflag:$0x4], $0x80, s24, s26, $0xb8;
	[tilespmem:$0x1D000] =	vst v63  }
0x55: {  	_ =	swait.ge [sflag:s25], $0x4000  }
0x56: {  	[sflag:s25] =	ssyncset.done $0x0  }
0x57: {  	[sflag:s25] =	ssyncadd.s32 $0xFFFFC000  }
0x58: {  	s22 =	sadd.s32 $0x1, s22;
	_ =	swait.ge [sflag:s16], $0x4000  }
0x59: {  	p0 =	sne.s32 s22, $0xA;
	[sflag:s16] =	ssyncset.done $0x0  }
.Ltmp1:
0x5a: {  	[sflag:s16] =	ssyncadd.s32 $0xFFFFC000;
	(pc) =	sbr.rel @p0 .LBB2_2-.Ltmp1, $4  }
0x5b: {  	[spmem:s4] =	stream.indirect.scatter.add.f32 [tilespmem:s19], [sflag:$0x3], $0x80, s18, s17, $0xb8;
	[tilespmem:$0x1D000] =	vst v63  }
0x5c: {  	_ =	swait.ge [sflag:s14], $0x4000  }
0x5d: {  	[sflag:s14] =	ssyncset.done $0x0  }
0x5e: {  	[sflag:s14] =	ssyncadd.s32 $0xFFFFC000  }
0x5f: {  	s5 =	sadd.s32 $0x1, s5  }
0x60: {  	p0 =	sne.s32 s5, s12  }
.Ltmp2:
0x61: {  	[bflag:$0x0] =	sbarrier.arrive $0xFFFF;
	(pc) =	sbr.rel @p0 .LBB2_1-.Ltmp2, $4  }
0x62: {  	[hbm:s11@s21], [sflag:s9] =	dma.strided [spmem:s13@s17], $0x2800, s20, $0x10   }
0x63: {  	_ =	swait.ge [sflag:s14], $0x2800  }
0x64: {  	[sflag:s14] =	ssyncset.done $0x0  }
0x65: {  	[sflag:s14] =	ssyncadd.s32 $0xFFFFD800  }
0x66: {  	_ =	sfence.sel $0x180000  }
0x67: {  	[bflag:$0x0] =	sbarrier.arrive $0xFFFF  }
0x68: {  	p0 =	sne.s32 s2, $0x0;
	_ =	strace $0x9000004D  }
0x69: {  	s0 =	sadd.s32 @!p0 $0x100000, s0;
	[bflag:$0x2] =	sbarrier.arrive $0xFFFF  }
0x6a: {  	[sflag:s0] =	ssyncadd.tile.s32 @!p0 $0x1;
	_ =	shalt  }
.Lfunc_end2:
_tile_overlayer_lowered:
.L_overlay_start_2:
0x6b: {  	(tag) =	ssettag $0x2  }
0x6c: {  	s0 =	rddreg [dreg:$0x0];
	s2 =	stileid.u32  }
0x6d: {  	s1 =	rddreg [dreg:$0x1];
	p0 =	sne.s32 s2, $0x0  }
0x6e: {  	s3 =	rddreg [dreg:$0x2];
	[bflag:$0x3] =	sbarrier.arrive $0xFFFF;
	s2 =	simm.s32 @!p0 $0x1C03  }
0x6f: {  	[timem:s3], [sflag:s2] =	dma.local @!p0 [hbm:s0], s1  }
0x70: {  	s0 =	simm.s32 @!p0 $0x3  }
0x71: {  	_ =	swait.ge @!p0 [sflag:s0], s1  }
0x72: {  	s1 =	ssub.s32 @!p0 $0x0, s1;
	[sflag:s0] =	ssyncset.done @!p0 $0x0  }
0x73: {  	[sflag:s0] =	ssyncadd.s32 @!p0 s1  }
0x74: {  	[bflag:$0x3] =	sbarrier.arrive $0xFFFF  }
0x75: {  	_ =	shalt  }

// kernel: kernel.8.cloned.1.call-start
scs
__scs_entry_jumppad:
0x0: {  	(pc) =	sbr.rel $0x88, $3  }
0x1: {  	(tag) =	ssettag $0x0;
	lr =	simm.s32 $0x1  }
0x2: {  	[smem:$0x3F95] =	sst lr;
	_ =	strace $0xD0000000  }
0x3: {  	_ = 	snop  }
0x4: {  	_ = 	snop  }
0x5: {  	_ = 	snop  }
0x6: {  	_ = 	snop  }
0x7: {  	_ = 	snop  }
__scs_overlays_trampoline_lowered:
0x8: {  	[smem:$0x3FA4] =	sst s0  }
0x9: {  	[smem:$0x3FA5] =	sst s1  }
0xa: {  	[smem:$0x3FA6] =	sst s2  }
0xb: {  	[smem:$0x3FA7] =	sst s3  }
0xc: {  	[smem:$0x3FA8] =	sst s4  }
0xd: {  	[smem:$0x3FA9] =	sst s5  }
0xe: {  	[smem:$0x3FAA] =	sst s6  }
0xf: {  	[smem:$0x3FAB] =	sst s7  }
0x10: {  	[smem:$0x3FAC] =	sst s8  }
0x11: {  	[smem:$0x3FAD] =	sst s9;
	s0 =	simm.s32 @!p0 $0x0  }
0x12: {  	s1 =	sld [smem:$0x3F93];
	s0 =	simm.s32 @p0 $0x1  }
0x13: {  	[smem:$0x3FAE] =	sst s0;
	s0 =	simm.s32 @!p1 $0x0  }
0x14: {  	s2 =	sld [smem:$0x3F92];
	s0 =	simm.s32 @p1 $0x1  }
0x15: {  	[smem:$0x3FAF] =	sst s0;
	s0 =	simm.s32 @!p2 $0x0  }
0x16: {  	s3 =	sld [smem:$0x3FDB];
	s0 =	simm.s32 @p2 $0x1  }
0x17: {  	s4 =	simm.s32 $0x1BF5;
	[smem:$0x3FB1] =	sst s0  }
0x18: {  	s0 =	sld [smem:$0x3F94];
	_ =	swait.ge [sflag:s4], $0x0  }
0x19: {  	s7 =	sld [smem:$0x3F95]  }
0x1a: {  	s8 =	sadd.s32 $0xFFFFE003, lr  }
0x1b: {  	s9 =	sadd.s32 $0xFFFFFEF7, lr;
	s5 =	simm.s32 $0xFFFFFFFF;
	p2 =	slt.u32 s8, $0xFFFFF086  }
0x1c: {  	p1 =	slt.u32 s9, $0xF7A;
	s5 =	simm.s32 @!p2 $0x0  }
0x1d: {  	s5 =	simm.s32 @p1 $0x1;
	p0 =	seq.s32 s7, s2  }
0x1e: {  	s7 =	smul.u32 @!p0 $0xF7A, s2;
	p2 =	seq.s32 @!p0 s5, $0x0  }
0x1f: {  	s9 =	smul.u32 $0xF7A, s1;
	s8 =	simm.s32 @!p0 $0x1BF5;
	p2 =	por !p2, p0  }
0x20: {  	[sflag:s8] =	ssyncset.s32 @!p0 $0xFFFFF086;
	s6 =	sadd.s32 @!p0 s3, s7;
	s7 =	simm.s32 @!p0 $0x108  }
0x21: {  	s3 =	sadd.s32 s3, s9;
	s6 =	sadd.s32 @!p0 $0x88, s6;
	s7 =	simm.s32 @p2 $0x1082  }
0x22: {  	[simem:s7], [sflag:s8] =	dma.local @!p0 [hbm:s6], $0xF7A  }
0x23: {  	s9 =	sor.u32 $0xD0000000, s2;
	s6 =	simm.s32 $0x108;
	_ =	swait.ge @!p0 [sflag:s8], $0x0  }
0x24: {  	s3 =	sadd.s32 $0x88, s3;
	s6 =	simm.s32 @!p1 $0x1082;
	[sflag:s4] =	ssyncset.s32 $0xFFFFF086  }
0x25: {  	[simem:s6], [sflag:s4] =	dma.local [hbm:s3], $0xF7A  }
0x26: {  	[smem:$0x3F95] =	sst s1;
	(tag) =	ssettag s2;
	_ =	strace s9  }
0x27: {  	s1 =	sld [smem:$0x3FA5]  }
0x28: {  	s2 =	sld [smem:$0x3FA6]  }
0x29: {  	s4 =	sld [smem:$0x3FA8]  }
0x2a: {  	p0 =	seq.s32 s5, $0x0;
	s5 =	sld [smem:$0x3FA9]  }
0x2b: {  	s6 =	sld [smem:$0x3FAA]  }
0x2c: {  	s7 =	sld [smem:$0x3FAB]  }
0x2d: {  	s3 =	simm.s32 $0x108;
	s8 =	sld [smem:$0x3FAC]  }
0x2e: {  	s3 =	simm.s32 @!p0 $0x1082;
	s9 =	sld [smem:$0x3FAD]  }
0x2f: {  	lr =	sadd.s32 s0, s3;
	s0 =	sld [smem:$0x3FA4]  }
0x30: {  	s3 =	sld [smem:$0x3FA7]  }
0x31: {  	[smem:$0x3FB0] =	sst s10  }
0x32: {  	s10 =	sld [smem:$0x3FAE];
	_ =	sdelay $0x3  }
0x33: {  	p0 =	seq.s32 s10, $0x1;
	s10 =	sld [smem:$0x3FB0];
	_ =	sdelay $0x3  }
0x34: {  	[smem:$0x3FB0] =	sst s10  }
0x35: {  	s10 =	sld [smem:$0x3FAF];
	_ =	sdelay $0x3  }
0x36: {  	p1 =	seq.s32 s10, $0x1;
	s10 =	sld [smem:$0x3FB0];
	_ =	sdelay $0x3  }
0x37: {  	[smem:$0x3FB0] =	sst s10  }
0x38: {  	s10 =	sld [smem:$0x3FB1]  }
0x39: {  	_ = 	snop;
	(pc) =	sbr.ind lr, $3  }
0x3a: {  	_ = 	snop  }
0x3b: {  	_ = 	snop  }
0x3c: {  	p2 =	seq.s32 s10, $0x1;
	s10 =	sld [smem:$0x3FB0]  }
0x3d: {  	_ =	shalt  }
0x3e: {  	_ =	shalt  }
0x3f: {  	_ =	shalt  }
0x40: {  	_ =	shalt  }
0x41: {  	_ =	shalt  }
0x42: {  	_ =	shalt  }
0x43: {  	_ =	shalt  }
0x44: {  	_ =	shalt  }
0x45: {  	_ =	shalt  }
0x46: {  	_ =	shalt  }
0x47: {  	_ =	shalt  }
0x48: {  	_ =	shalt  }
0x49: {  	_ =	shalt  }
0x4a: {  	_ =	shalt  }
0x4b: {  	_ =	shalt  }
0x4c: {  	_ =	shalt  }
0x4d: {  	_ =	shalt  }
0x4e: {  	_ =	shalt  }
0x4f: {  	_ =	shalt  }
0x50: {  	_ =	shalt  }
0x51: {  	_ =	shalt  }
0x52: {  	_ =	shalt  }
0x53: {  	_ =	shalt  }
0x54: {  	_ =	shalt  }
0x55: {  	_ =	shalt  }
0x56: {  	_ =	shalt  }
0x57: {  	_ =	shalt  }
0x58: {  	_ =	shalt  }
0x59: {  	_ =	shalt  }
0x5a: {  	_ =	shalt  }
0x5b: {  	_ =	shalt  }
0x5c: {  	_ =	shalt  }
0x5d: {  	_ =	shalt  }
0x5e: {  	_ =	shalt  }
0x5f: {  	_ =	shalt  }
0x60: {  	_ =	shalt  }
0x61: {  	_ =	shalt  }
0x62: {  	_ =	shalt  }
0x63: {  	_ =	shalt  }
0x64: {  	_ =	shalt  }
0x65: {  	_ =	shalt  }
0x66: {  	_ =	shalt  }
0x67: {  	_ =	shalt  }
0x68: {  	_ =	shalt  }
0x69: {  	_ =	shalt  }
0x6a: {  	_ =	shalt  }
0x6b: {  	_ =	shalt  }
0x6c: {  	_ =	shalt  }
0x6d: {  	_ =	shalt  }
0x6e: {  	_ =	shalt  }
0x6f: {  	_ =	shalt  }
0x70: {  	_ =	shalt  }
0x71: {  	_ =	shalt  }
0x72: {  	_ =	shalt  }
0x73: {  	_ =	shalt  }
0x74: {  	_ =	shalt  }
0x75: {  	_ =	shalt  }
0x76: {  	_ =	shalt  }
0x77: {  	_ =	shalt  }
0x78: {  	_ =	shalt  }
0x79: {  	_ =	shalt  }
0x7a: {  	_ =	shalt  }
0x7b: {  	_ =	shalt  }
0x7c: {  	_ =	shalt  }
0x7d: {  	_ =	shalt  }
0x7e: {  	_ =	shalt  }
0x7f: {  	_ =	shalt  }
0x80: {  	_ =	shalt  }
0x81: {  	_ =	shalt  }
0x82: {  	_ =	shalt  }
0x83: {  	_ =	shalt  }
0x84: {  	_ =	shalt  }
0x85: {  	_ =	shalt  }
0x86: {  	_ =	shalt  }
0x87: {  	_ =	shalt  }
.Lfunc_end0:
.L_simem_size_0:
called_computation_lowered:
.L_overlay_start_0:
0x88: {  	s2 =	sld [smem:$0x3FD9]  }
0x89: {  	s3 =	sld [smem:$0x3FFE];
	_ =	sdelay $0x1  }
0x8a: {  	s1 =	srdreg.scid  }
0x8b: {  	s0 =	sand.u32 $0x1, s1  }
0x8c: {  	s14 =	sshll.u32 s0, $0xA;
	s2 =	sadd.s32 s3, s2  }
0x8d: {  	s2 =	sadd.s32 s2, s14  }
0x8e: {  	[smem:$0x3FBC] =	sst s2  }
0x8f: {  	_ = 	snop  }
0x90: {  	s2 =	sld [smem:$0x3FD0];
	_ =	sdelay $0x2  }
0x91: {  	s15 =	simm.s32 $0xA;
	s4 =	simm.s32 $0x10  }
0x92: {  	[smem:s4], [sflag:s15] =	dma.local [hbm:s2], $0x1  }
0x93: {  	_ =	swait.eq [sflag:s15], $0x1  }
0x94: {  	[sflag:s15] =	ssyncset.done $0x0  }
0x95: {  	s16 =	sld [smem:$0x10];
	[sflag:s15] =	ssyncadd.s32 $0xFFFFFFFF  }
0x96: {  	s17 =	sld [smem:$0x11];
	(tm) =	ssettm $0x1  }
0x97: {  	s18 =	sld [smem:$0x3FFB];
	_ =	sdelay $0x3  }
0x98: {  	_ =	strace s18  }
0x99: {  	s4 =	sld [smem:$0x3FFC];
	_ =	sdelay $0x3  }
0x9a: {  	_ =	strace s4  }
0x9b: {  	s4 =	sld [smem:$0x3FFD];
	_ =	sdelay $0x3  }
0x9c: {  	_ =	strace s4  }
0x9d: {  	_ =	strace $0x8FFFFFFF  }
0x9e: {  	s19 =	sld [smem:$0x3FDB];
	_ =	sdelay $0x1  }
0x9f: {  	s5 =	simm.s32 $_scs_section_size  }
0xa0: {  	s6 =	simm.s32 $_size__tile_overlayer_lowered;
	s7 =	simm.s32 $_tile_overlayer_lowered  }
0xa1: {  	s22 =	simm.s32 $0x1BFF;
	s21 =	sshll.u32 s7, $0x1;
	s4 =	sadd.s32 s5, s19  }
0xa2: {  	s8 =	simm.s32 $0x0;
	s20 =	sshll.u32 s6, $0x1;
	s6 =	sadd.s32 s21, s4  }
0xa3: {  	[timem:s8], [sflag:s22] =	dma.local [hbm:s6], s20  }
0xa4: {  	_ =	swait.ge [sflag:s22], s20  }
0xa5: {  	s5 =	ssub.s32 $0x0, s20;
	[sflag:s22] =	ssyncset.done $0x0  }
0xa6: {  	[sflag:s22] =	ssyncadd.s32 s5;
	_ =	sdelay $0x1  }
0xa7: {  	s23 =	simm.s32 $0x1B8B  }
0xa8: {  	_ =	swait.ge [sflag:s23], $0x1  }
0xa9: {  	[sflag:s23] =	ssyncset.done $0x0  }
0xaa: {  	s25 =	simm.s32 $0x1B8E;
	s24 =	sld [smem:$0x3FFE];
	[sflag:s23] =	ssyncadd.s32 $0xFFFFFFFF  }
0xab: {  	s26 =	simm.s32 $execute0_lowered;
	[smem:$0x3FD2] =	sst s25  }
0xac: {  	s6 =	sshll.u32 s26, $0x1;
	_ =	strace $0x80000046;
	[dreg:$0x1] =	wrdreg $0xFFFFFFFF  }
0xad: {  	s28 =	simm.s32 $_size_execute0_lowered;
	s4 =	sadd.s32 s4, s6;
	[dreg:$0x0] =	wrdreg $0x0  }
0xae: {  	s6 =	sshll.u32 s28, $0x1;
	[dreg:$0x2] =	wrdreg s4  }
0xaf: {  	[dreg:$0x3] =	wrdreg s6  }
0xb0: {  	[dreg:$0x4] =	wrdreg $0xC0  }
0xb1: {  	_ =	task [dreg:s8], $0x5FFFF  }
0xb2: {  	[dreg:$0x1] =	wrdreg $0xFFFFFFFF  }
0xb3: {  	[dreg:$0x0] =	wrdreg $0x60  }
0xb4: {  	[dreg:$0x2] =	wrdreg s17  }
0xb5: {  	[dreg:$0x3] =	wrdreg s24  }
0xb6: {  	[dreg:$0x4] =	wrdreg s16  }
0xb7: {  	[dreg:$0x5] =	wrdreg $0x50800  }
0xb8: {  	[dreg:$0x6] =	wrdreg $0x9  }
0xb9: {  	_ =	task.clear_ibuf [dreg:s8], $0x7FFFF;
	_ =	strace $0x90000046  }
0xba: {  	s29 =	simm.s32 $0x9;
	_ =	strace $0x80000048  }
0xbb: {  	_ =	swait.ge [sflag:s29], $0x1  }
0xbc: {  	[sflag:s29] =	ssyncadd.s32 $0xFFFFFFFF  }
0xbd: {  	_ =	strace $0x90000048  }
0xbe: {  	_ =	sfence  }
0xbf: {  	s30 =	sld [smem:$0x0];
	_ =	sdelay $0x2  }
0xc0: {  	s31 =	sshll.u32 s1, $0xD;
	s1 =	sshrl.u32 s1, $0x2  }
0xc1: {  	s3 =	sand.u32 $0x4000, s31;
	s1 =	sadd.s32 s1, s30  }
0xc2: {  	s0 =	sor.u32 s3, s0;
	s1 =	sshll.u32 s1, $0x11  }
0xc3: {  	s0 =	sor.u32 s1, s0  }
0xc4: {  	s0 =	sadd.s32 $0x8F2B, s0  }
0xc5: {  	[sflag:s0] =	ssyncadd.remote.s32 $0x1  }
0xc6: {  	_ =	sfence.sel $0xFFFF  }
0xc7: {  	[dreg:$0x0] =	wrdreg $0xFFFFFFFF;
	(pc) =	sbr.abs _section_cstart, $3  }
0xc8: {  	[dreg:$0x1] =	wrdreg $0xFFFFFFFF  }
0xc9: {  	_ =	task.clear_ibuf [dreg:s8], $0x2FFFF;
	_ =	strace $0x9FFFFFFF  }
0xca: {  	(tm) =	ssettm $0x7FFFFFFF  }
0xcb: {  	_ =	shalt  }
tec
execute0_lowered:
.L_overlay_start_1:
0x0: {  	(tag) =	ssettag $0x1  }
0x1: {  	s7 =	rddreg [dreg:$0x0]  }
0x2: {  	s5 =	rddreg [dreg:$0x1]  }
0x3: {  	s8 =	rddreg [dreg:$0x2]  }
0x4: {  	s2 =	rddreg [dreg:$0x3]  }
0x5: {  	s0 =	rddreg [dreg:$0x4];
	s3 =	simm.s32 $0x0;
	s1 =	stileid.u32  }
0x6: {  	s4 =	srdreg.scid;
	s14 =	simm.s32 $0x0;
	s6 =	smul.u32 $0x280, s1  }
0x7: {  	[smem:$0x7FF] =	sst s3;
	s4 =	sand.u32 $0x1, s4;
	s12 =	smul.u32 $0x500, s1  }
0x8: {  	s13 =	smul.u32 $0xA00, s1;
	s31 =	sshll.u32 s1, $0x6;
	_ =	strace $0x80000047  }
0x9: {  	s9 =	ssub.s32 $0x2, s4;
	s28 =	sshll.u32 s4, $0x7;
	s10 =	sshrl.u32 s6, $0x3  }
0xa: {  	s11 =	sshrl.u32 s9, $0x1;
	s29 =	sadd.s32 s6, s2;
	s30 =	sor.u32 s28, s12  }
0xb: {  	s6 =	sor.u32 $0x1C01, s31;
	s7 =	sadd.s32 s7, s13;
	s13 =	simm.s32 $0x10  }
0xc: {  	s5 =	sadd.s32 s10, s5;
	s9 =	ssub.s32 s9, s11;
	s12 =	sshrl.u32 s30, $0x3  }
0xd: {  	s10 =	sshrl.u32 s29, $0x3;
	s11 =	simm.s32 $0x1;
	s5 =	sadd.s32 $0x3000, s5  }
0xe: {  	v0 =	vimm.f32 $1.000000000e+00;
	s8 =	sadd.s32 s8, s12;
	s9 =	smax.u32 s9, $0x1;
	s12 =	simm.s32 $0x20  }
.LBB2_1:
0xf: {  	[tilespmem:$0x5000] =	vst v0  }
0x10: {  	[tilespmem:$0x5010] =	vst v0  }
0x11: {  	[tilespmem:$0x5020] =	vst v0  }
0x12: {  	[tilespmem:$0x5030] =	vst v0  }
0x13: {  	[tilespmem:$0x5040] =	vst v0  }
0x14: {  	[tilespmem:$0x5050] =	vst v0  }
0x15: {  	[tilespmem:$0x5060] =	vst v0  }
0x16: {  	[tilespmem:$0x5070] =	vst v0  }
0x17: {  	[spmem:s10], [sflag:s6] =	dma.local [hbm:s5], $0x50  }
0x18: {  	_ =	swait.ge [sflag:s11], $0x50  }
0x19: {  	[sflag:s11] =	ssyncset.done $0x0  }
0x1a: {  	[sflag:s11] =	ssyncadd.s32 $0xFFFFFFB0  }
0x1b: {  	[tilespmem:s3], [sflag:$0x1] =	stream.linear.gather [hbm4b:s7+s3], $0x5000, $0x38;
	[tilespmem:$0x5300] =	vst v63  }
0x1c: {  	s15 =	sand.u32 $0x1, s3;
	_ =	swait.ge [sflag:s11], $0x5000  }
0x1d: {  	p0 =	sne.s32 s15, s4;
	[sflag:s11] =	ssyncset.done $0x0  }
0x1e: {  	s15 =	simm.s32 @!p0 $0x80;
	[sflag:s11] =	ssyncadd.s32 $0xFFFFB000  }
0x1f: {  	s16 =	simm.s32 @!p0 $0x5000;
	s18 =	simm.s32 @!p0 $0x1;
	[bflag:$0x0] =	sbarrier.arrive $0xFFFF  }
0x20: {  	[spmem:s2] =	stream.indirect.scatter.add.f32 @!p0 [tilespmem:s16], [sflag:$0x1], $0x1, s3, s15, $0xb8;
	[tilespmem:$0x5300] =	vst v63  }
0x21: {  	s17 =	simm.s32 $0x2;
	_ =	swait.ge @!p0 [sflag:s18], $0x80  }
0x22: {  	s16 =	simm.s32 $0x1;
	s15 =	simm.s32 $0x80;
	[sflag:s18] =	ssyncset.done @!p0 $0x0  }
.LBB2_2:
0x23: {  	s19 =	sand.u32 $0x1, s16;
	s16 =	smov.u32 s17;
	s17 =	sadd.s32 $0x1, s17  }
0x24: {  	[sflag:s18] =	ssyncadd.s32 @!p0 $0xFFFFFF80;
	p1 =	sne.s32 s17, $0xA0  }
.Ltmp0:
0x25: {  	p0 =	sne.s32 s19, s4;
	(pc) =	sbr.rel @p1 .LBB2_2-.Ltmp0, $4  }
0x26: {  	s19 =	simm.s32 @!p0 $0x80;
	s20 =	simm.s32 @!p0 $0x5000;
	s18 =	simm.s32 @!p0 $0x1  }
0x27: {  	[spmem:s2] =	stream.indirect.scatter.add.f32 @!p0 [tilespmem:s20], [sflag:$0x1], $0x1, s15, s19, $0xb8;
	[tilespmem:$0x5300] =	vst v63  }
0x28: {  	_ =	swait.ge @!p0 [sflag:s18], $0x80  }
0x29: {  	s15 =	sadd.s32 $0x80, s15;
	[sflag:s18] =	ssyncset.done @!p0 $0x0  }
0x2a: {  	s16 =	sand.u32 $0x1, s16  }
0x2b: {  	[sflag:s18] =	ssyncadd.s32 @!p0 $0xFFFFFF80;
	p0 =	sne.s32 s16, s4  }
0x2c: {  	s16 =	simm.s32 @!p0 $0x80;
	s17 =	simm.s32 @!p0 $0x5000;
	s18 =	simm.s32 @!p0 $0x1  }
0x2d: {  	[spmem:s2] =	stream.indirect.scatter.add.f32 @!p0 [tilespmem:s17], [sflag:$0x1], $0x1, s15, s16, $0xb8;
	[tilespmem:$0x5300] =	vst v63  }
0x2e: {  	_ =	swait.ge @!p0 [sflag:s18], $0x80  }
0x2f: {  	s14 =	sadd.s32 $0x1, s14;
	[sflag:s18] =	ssyncset.done @!p0 $0x0  }
0x30: {  	[sflag:s18] =	ssyncadd.s32 @!p0 $0xFFFFFF80;
	p0 =	sne.s32 s14, s9  }
.Ltmp1:
0x31: {  	[bflag:$0x0] =	sbarrier.arrive $0xFFFF;
	(pc) =	sbr.rel @p0 .LBB2_1-.Ltmp1, $4  }
0x32: {  	[hbm:s8@s12], [sflag:s6] =	dma.strided [spmem:s10@s13], $0x50, s11, $0x10   }
0x33: {  	_ =	swait.ge [sflag:s11], $0x50  }
0x34: {  	[sflag:s11] =	ssyncset.done $0x0  }
0x35: {  	[sflag:s11] =	ssyncadd.s32 $0xFFFFFFB0  }
0x36: {  	_ =	sfence.sel $0x180000  }
0x37: {  	[bflag:$0x0] =	sbarrier.arrive $0xFFFF  }
0x38: {  	p0 =	sne.s32 s1, $0x0;
	_ =	strace $0x90000047  }
0x39: {  	s0 =	sadd.s32 @!p0 $0x100000, s0;
	[bflag:$0x2] =	sbarrier.arrive $0xFFFF  }
0x3a: {  	[sflag:s0] =	ssyncadd.tile.s32 @!p0 $0x1;
	_ =	shalt  }
.Lfunc_end2:
_tile_overlayer_lowered:
.L_overlay_start_2:
0x3b: {  	(tag) =	ssettag $0x2  }
0x3c: {  	s0 =	rddreg [dreg:$0x0];
	s2 =	stileid.u32  }
0x3d: {  	s1 =	rddreg [dreg:$0x1];
	p0 =	sne.s32 s2, $0x0  }
0x3e: {  	s3 =	rddreg [dreg:$0x2];
	[bflag:$0x3] =	sbarrier.arrive $0xFFFF;
	s2 =	simm.s32 @!p0 $0x1C01  }
0x3f: {  	[timem:s3], [sflag:s2] =	dma.local @!p0 [hbm:s0], s1  }
0x40: {  	s0 =	simm.s32 @!p0 $0x1  }
0x41: {  	_ =	swait.ge @!p0 [sflag:s0], s1  }
0x42: {  	s1 =	ssub.s32 @!p0 $0x0, s1;
	[sflag:s0] =	ssyncset.done @!p0 $0x0  }
0x43: {  	[sflag:s0] =	ssyncadd.s32 @!p0 s1  }
0x44: {  	[bflag:$0x3] =	sbarrier.arrive $0xFFFF  }
0x45: {  	_ =	shalt  }

</sc_bundles>
